<compile_context>
chip_gen: v7x
topology: tpu7x:2x2x1
jax: 0.10.2.dev20260603
libtpu: 0.0.44.dev20260713+nightly
codegen_flags: <defaults>
</compile_context>

<pallas_src>
import functools

import jax
import jax.numpy as jnp
from jax import lax
from jax.experimental import pallas as pl
from jax.experimental.pallas import tpu as pltpu
from jax.experimental.pallas import tpu_sc as plsc

N = 10000
DIN = 128
H = 64
B = 8
C = 8
NC = 2
NS = 16
K = 128
N_PAD = N + 8
RPW = 632
RPL = N - (NS - 1) * RPW


def _bf(v):
    return v.astype(jnp.bfloat16)


def _dot(a, b):
    return jnp.dot(_bf(a), _bf(b), preferred_element_type=jnp.float32)


K1 = 32


def _make_agg1(c1):
    mesh = plsc.VectorSubcoreMesh(
        core_axis_name="c", subcore_axis_name="s", num_cores=NC,
        num_subcores=NS)

    @functools.partial(
        pl.kernel,
        out_type=jax.ShapeDtypeStruct((NC * N, DIN), jnp.float32),
        mesh=mesh,
        scratch_types=[
            pltpu.VMEM_SHARED((N_PAD, DIN), jnp.float32),
            pltpu.VMEM((c1, K1), jnp.int32),
            pltpu.VMEM((c1, K1), jnp.int32),
            pltpu.VMEM((K1, DIN), jnp.float32),
            pltpu.VMEM((K1, DIN), jnp.float32),
            pltpu.SemaphoreType.DMA,
            pltpu.SemaphoreType.DMA,
        ],
        compiler_params=pltpu.CompilerParams(use_tc_tiling_on_sc=False),
    )
    def agg(x1_hbm, x2_hbm, e1_hbm, e2_hbm, out_hbm, acc, src_v, dst_v,
            rows0, rows1, sem0, sem1):
        c = lax.axis_index("c")
        s = lax.axis_index("s")
        row0 = c * N + s * RPW

        def run(xref, eref):
            @pl.when(s < NS - 1)
            def _():
                pltpu.sync_copy(xref.at[pl.ds(s * RPW, RPW)],
                                acc.at[pl.ds(s * RPW, RPW)])

            @pl.when(s == NS - 1)
            def _():
                pltpu.sync_copy(xref.at[pl.ds(s * RPW, RPL)],
                                acc.at[pl.ds(s * RPW, RPL)])
            pltpu.sync_copy(eref.at[0, s], src_v)
            pltpu.sync_copy(eref.at[1, s], dst_v)
            plsc.subcore_barrier()
            pltpu.async_copy(xref.at[src_v.at[0]], rows0, sem0)
            pltpu.async_copy(xref.at[src_v.at[1]], rows1, sem1)

            @pl.loop(0, c1 - (c1 % 2), step=2)
            def _(j):
                pltpu.make_async_copy(
                    xref.at[src_v.at[j]], rows0, sem0).wait()
                pltpu.sync_copy(rows0, acc.at[dst_v.at[j]], add=True)

                @pl.when(j + 2 < c1)
                def _():
                    pltpu.async_copy(xref.at[src_v.at[j + 2]], rows0, sem0)

                pltpu.make_async_copy(
                    xref.at[src_v.at[j + 1]], rows1, sem1).wait()
                pltpu.sync_copy(rows1, acc.at[dst_v.at[j + 1]], add=True)

                @pl.when(j + 3 < c1)
                def _():
                    pltpu.async_copy(xref.at[src_v.at[j + 3]], rows1, sem1)

            if c1 % 2:
                pltpu.make_async_copy(
                    xref.at[src_v.at[c1 - 1]], rows0, sem0).wait()
                pltpu.sync_copy(rows0, acc.at[dst_v.at[c1 - 1]], add=True)
            plsc.subcore_barrier()

            @pl.when(s < NS - 1)
            def _():
                pltpu.sync_copy(acc.at[pl.ds(s * RPW, RPW)],
                                out_hbm.at[pl.ds(row0, RPW)])

            @pl.when(s == NS - 1)
            def _():
                pltpu.sync_copy(acc.at[pl.ds(s * RPW, RPL)],
                                out_hbm.at[pl.ds(row0, RPL)])

        @pl.when(c == 0)
        def _():
            run(x1_hbm, e1_hbm)

        @pl.when(c == 1)
        def _():
            run(x2_hbm, e2_hbm)

    return agg


def _make_agg(ch, d, k):
    mesh = plsc.VectorSubcoreMesh(
        core_axis_name="c", subcore_axis_name="s", num_cores=NC,
        num_subcores=NS)

    @functools.partial(
        pl.kernel,
        out_type=jax.ShapeDtypeStruct((NC * N, d), jnp.float32),
        mesh=mesh,
        scratch_types=[
            pltpu.VMEM_SHARED((N_PAD, d), jnp.float32),
            pltpu.VMEM((ch, k), jnp.int32),
            pltpu.VMEM((ch, k), jnp.int32),
            pltpu.VMEM((k, d), jnp.float32),
            pltpu.VMEM((k, d), jnp.float32),
            pltpu.SemaphoreType.DMA,
            pltpu.SemaphoreType.DMA,
        ],
        compiler_params=pltpu.CompilerParams(use_tc_tiling_on_sc=False),
    )
    def agg(y_hbm, src_hbm, dst_hbm, out_hbm, acc, src_v, dst_v,
            rows0, rows1, sem0, sem1):
        c = lax.axis_index("c")
        s = lax.axis_index("s")
        wid = c * NS + s
        row0 = c * N + s * RPW

        @pl.when(s < NS - 1)
        def _():
            pltpu.sync_copy(y_hbm.at[pl.ds(row0, RPW)],
                            acc.at[pl.ds(s * RPW, RPW)])

        @pl.when(s == NS - 1)
        def _():
            pltpu.sync_copy(y_hbm.at[pl.ds(row0, RPL)],
                            acc.at[pl.ds(s * RPW, RPL)])
        pltpu.sync_copy(src_hbm.at[wid], src_v)
        pltpu.sync_copy(dst_hbm.at[wid], dst_v)
        plsc.subcore_barrier()
        pltpu.async_copy(y_hbm.at[src_v.at[0]], rows0, sem0)
        pltpu.async_copy(y_hbm.at[src_v.at[1]], rows1, sem1)

        @pl.loop(0, ch, step=2)
        def _(j):
            pltpu.make_async_copy(y_hbm.at[src_v.at[j]], rows0, sem0).wait()
            pltpu.sync_copy(rows0, acc.at[dst_v.at[j]], add=True)

            @pl.when(j + 2 < ch)
            def _():
                pltpu.async_copy(y_hbm.at[src_v.at[j + 2]], rows0, sem0)

            pltpu.make_async_copy(
                y_hbm.at[src_v.at[j + 1]], rows1, sem1).wait()
            pltpu.sync_copy(rows1, acc.at[dst_v.at[j + 1]], add=True)

            @pl.when(j + 3 < ch)
            def _():
                pltpu.async_copy(y_hbm.at[src_v.at[j + 3]], rows1, sem1)

        plsc.subcore_barrier()

        @pl.when(s < NS - 1)
        def _():
            pltpu.sync_copy(acc.at[pl.ds(s * RPW, RPW)],
                            out_hbm.at[pl.ds(row0, RPW)])

        @pl.when(s == NS - 1)
        def _():
            pltpu.sync_copy(acc.at[pl.ds(s * RPW, RPL)],
                            out_hbm.at[pl.ds(row0, RPL)])

    return agg


def _mlp1_body(a_ref, wa_ref, ba_ref, wb_ref, bb_ref, o_ref):
    u = jnp.maximum(_dot(a_ref[...], wa_ref[...]) + ba_ref[...], 0.0)
    o_ref[...] = jnp.maximum(_dot(u, wb_ref[...]) + bb_ref[...], 0.0)


def _mlp1(a, w1a, b1a, w1b, b1b):
    m = a.shape[0]
    r = 2000
    full = lambda i: (0, 0)
    return pl.pallas_call(
        _mlp1_body,
        grid=(m // r,),
        in_specs=[pl.BlockSpec((r, DIN), lambda i: (i, 0)),
                  pl.BlockSpec((DIN, H), full),
                  pl.BlockSpec((1, H), full),
                  pl.BlockSpec((H, H), full),
                  pl.BlockSpec((1, H), full)],
        out_specs=pl.BlockSpec((r, H), lambda i: (i, 0)),
        out_shape=jax.ShapeDtypeStruct((m, H), jnp.float32),
    )(a, w1a, b1a.reshape(1, H), w1b, b1b.reshape(1, H))


RT = 2000
NBG = N // RT
NGRID = 2 * NBG


def _tail_body(a_ref, w2a_ref, b2a_ref, w2b_ref, b2b_ref, batch_ref, wt_ref,
               wf1_ref, bf1_ref, wf2_ref, bf2_ref,
               wm1a_ref, wm1b_ref, wm1c_ref, bm1_ref,
               wm2_ref, bm2_ref, wm3_ref, bm3_ref,
               o_ref, sum_ref, cnt_ref):
    i = pl.program_id(0)
    g = i // NBG

    @pl.when(i == 0)
    def _():
        sum_ref[...] = jnp.zeros_like(sum_ref)
        cnt_ref[...] = jnp.zeros_like(cnt_ref)

    u = jnp.maximum(_dot(a_ref[...], w2a_ref[...]) + b2a_ref[...], 0.0)
    h2 = jnp.maximum(_dot(u, w2b_ref[...]) + b2b_ref[...], 0.0)
    batch_blk = batch_ref[0, 0, :]
    seg = lax.broadcasted_iota(jnp.int32, (2 * B, RT), 0)
    oh = (batch_blk[None, :] + g * B == seg).astype(jnp.float32)
    sum_ref[...] += jnp.dot(oh, h2, preferred_element_type=jnp.float32,
                            precision=jax.lax.Precision.HIGHEST)
    cnt_ref[...] += jnp.sum(oh, axis=1, keepdims=True)

    @pl.when(i == NGRID - 1)
    def _():
        gm = sum_ref[...] / jnp.maximum(cnt_ref[...], 1.0)
        g1 = gm[0:B]
        g2 = gm[B:2 * B]
        g2b = _bf(g2).astype(jnp.float32)
        s_mat = jnp.zeros((B, C), jnp.float32)
        col = lax.broadcasted_iota(jnp.int32, (1, C), 1)
        for cc in range(C):
            wc = wt_ref[cc * H:(cc + 1) * H, :]
            inter = _dot(g1, wc)
            sc = jnp.sum(_bf(inter).astype(jnp.float32) * g2b,
                         axis=1, keepdims=True)
            s_mat = s_mat + sc * (col == cc).astype(jnp.float32)
        s_mat = jnp.maximum(_dot(s_mat, wf1_ref[...]) + bf1_ref[...], 0.0)
        s_mat = jnp.maximum(_dot(s_mat, wf2_ref[...]) + bf2_ref[...], 0.0)
        h = (_dot(g1, wm1a_ref[...]) + _dot(g2, wm1b_ref[...])
             + _dot(s_mat, wm1c_ref[...]) + bm1_ref[...])
        h = jnp.maximum(h, 0.0)
        h = jnp.maximum(_dot(h, wm2_ref[...]) + bm2_ref[...], 0.0)
        out = _dot(h, wm3_ref[...]) + bm3_ref[...]
        o_ref[...] = out.reshape(1, B)


def _tail(a, w2a, b2a, w2b, b2b, batch3, wt2d, wf1, bf1, wf2, bf2,
          wm1, bm1, wm2, bm2, wm3, bm3):
    full = lambda i: (0, 0)
    return pl.pallas_call(
        _tail_body,
        grid=(NGRID,),
        in_specs=[
            pl.BlockSpec((RT, H), lambda i: (i, 0)),
            pl.BlockSpec((H, H), full),
            pl.BlockSpec((1, H), full),
            pl.BlockSpec((H, H), full),
            pl.BlockSpec((1, H), full),
            pl.BlockSpec((1, 1, RT), lambda i: (i, 0, 0)),
            pl.BlockSpec((C * H, H), full),
            pl.BlockSpec((C, C), full),
            pl.BlockSpec((1, C), full),
            pl.BlockSpec((C, C), full),
            pl.BlockSpec((1, C), full),
            pl.BlockSpec((H, H), full),
            pl.BlockSpec((H, H), full),
            pl.BlockSpec((C, H), full),
            pl.BlockSpec((1, H), full),
            pl.BlockSpec((H, H // 2), full),
            pl.BlockSpec((1, H // 2), full),
            pl.BlockSpec((H // 2, 1), full),
            pl.BlockSpec((1, 1), full),
        ],
        out_specs=pl.BlockSpec((1, B), full),
        out_shape=jax.ShapeDtypeStruct((1, B), jnp.float32),
        scratch_shapes=[pltpu.VMEM((2 * B, H), jnp.float32),
                        pltpu.VMEM((2 * B, 1), jnp.float32)],
    )(a, w2a, b2a.reshape(1, H), w2b, b2b.reshape(1, H), batch3, wt2d,
      wf1, bf1.reshape(1, C), wf2, bf2.reshape(1, C),
      wm1[:H], wm1[H:2 * H], wm1[2 * H:], bm1.reshape(1, H),
      wm2, bm2.reshape(1, H // 2), wm3, bm3.reshape(1, 1))


def kernel(x1, edge_index1, batch1, x2, edge_index2, batch2,
           W1a, b1a, W1b, b1b, W2a, b2a, W2b, b2b,
           Wt, Wf1, bf1, Wf2, bf2,
           Wm1, bm1, Wm2, bm2, Wm3, bm3):
    e = edge_index1.shape[1]
    ew = e // NS
    c1 = ew // K1
    ewp = -(-ew // (2 * K)) * (2 * K)
    pad = NS * ewp - e

    def prep(ei, g):
        src = jnp.concatenate(
            [ei[0] + g * N, jnp.full((pad,), g * N, jnp.int32)])
        dst = jnp.concatenate([ei[1], jnp.full((pad,), N, jnp.int32)])
        return src.reshape(NS, ewp), dst.reshape(NS, ewp)

    s1, d1 = prep(edge_index1, 0)
    s2, d2 = prep(edge_index2, 1)
    src_all = jnp.concatenate([s1, s2])
    dst_all = jnp.concatenate([d1, d2])
    rs = lambda a: a.reshape(NC * NS, ewp // K, K)

    a1 = _make_agg1(c1)(
        x1, x2, edge_index1.reshape(2, NS, c1, K1),
        edge_index2.reshape(2, NS, c1, K1))
    h1 = _mlp1(a1, W1a, b1a, W1b, b1b)
    a2 = _make_agg(ewp // K, H, K)(
        h1, rs(src_all), rs(dst_all))
    batch3 = jnp.concatenate([batch1, batch2]).reshape(NGRID, 1, RT)
    out = _tail(a2, W2a, b2a, W2b, b2b, batch3, Wt.reshape(C * H, H),
                Wf1, bf1, Wf2, bf2, Wm1, bm1, Wm2, bm2, Wm3, bm3)
    return out.reshape(B)

# --- scband reference (transcript-rebuilt; emitter-appended) ---
"""Pipeline reference for scband-sim-gnn-84482006712593 (READ-ONLY COPY).

The authoritative reference and input builder live on the scoring server;
editing this copy changes nothing except your own understanding.
"""

import jax, jax.numpy as jnp
import numpy as np

N = 10000
E = 320000
D_IN = 128
H = 64
B = 8
C = 8


def setup_inputs(seed: int = 0) -> dict:
    key = jax.random.key(seed)
    ks = jax.random.split(key, 32)
    inp = {}
    inp['x1'] = jax.random.normal(ks[0], (N, D_IN), dtype=jnp.float32)
    inp['edge_index1'] = jax.random.randint(ks[1], (2, E), 0, N, dtype=jnp.int32)
    inp['batch1'] = jnp.sort(jax.random.randint(ks[2], (N,), 0, B, dtype=jnp.int32))
    inp['x2'] = jax.random.normal(ks[3], (N, D_IN), dtype=jnp.float32)
    inp['edge_index2'] = jax.random.randint(ks[4], (2, E), 0, N, dtype=jnp.int32)
    inp['batch2'] = jnp.sort(jax.random.randint(ks[5], (N,), 0, B, dtype=jnp.int32))
    # GIN conv1 MLP: Linear(128,64) -> ReLU -> Linear(64,64)
    inp['W1a'] = jax.random.normal(ks[6], (D_IN, H), dtype=jnp.float32) / jnp.sqrt(D_IN)
    inp['b1a'] = jnp.zeros((H,), dtype=jnp.float32)
    inp['W1b'] = jax.random.normal(ks[7], (H, H), dtype=jnp.float32) / jnp.sqrt(H)
    inp['b1b'] = jnp.zeros((H,), dtype=jnp.float32)
    # GIN conv2 MLP: Linear(64,64) -> ReLU -> Linear(64,64)
    inp['W2a'] = jax.random.normal(ks[8], (H, H), dtype=jnp.float32) / jnp.sqrt(H)
    inp['b2a'] = jnp.zeros((H,), dtype=jnp.float32)
    inp['W2b'] = jax.random.normal(ks[9], (H, H), dtype=jnp.float32) / jnp.sqrt(H)
    inp['b2b'] = jnp.zeros((H,), dtype=jnp.float32)
    # Tensor network module: W[C,H,H] + fc (Linear(C,C)->ReLU->Linear(C,C)->ReLU)
    inp['Wt'] = jax.random.normal(ks[10], (C, H, H), dtype=jnp.float32) / jnp.sqrt(H)
    inp['Wf1'] = jax.random.normal(ks[11], (C, C), dtype=jnp.float32) / jnp.sqrt(C)
    inp['bf1'] = jnp.zeros((C,), dtype=jnp.float32)
    inp['Wf2'] = jax.random.normal(ks[12], (C, C), dtype=jnp.float32) / jnp.sqrt(C)
    inp['bf2'] = jnp.zeros((C,), dtype=jnp.float32)
    # Final MLP: (2H + C) -> H -> H//2 -> 1
    MIN = 2 * H + C
    inp['Wm1'] = jax.random.normal(ks[13], (MIN, H), dtype=jnp.float32) / jnp.sqrt(MIN)
    inp['bm1'] = jnp.zeros((H,), dtype=jnp.float32)
    inp['Wm2'] = jax.random.normal(ks[14], (H, H // 2), dtype=jnp.float32) / jnp.sqrt(H)
    inp['bm2'] = jnp.zeros((H // 2,), dtype=jnp.float32)
    inp['Wm3'] = jax.random.normal(ks[15], (H // 2, 1), dtype=jnp.float32) / jnp.sqrt(H // 2)
    inp['bm3'] = jnp.zeros((1,), dtype=jnp.float32)
    return inp


def reference(x1, edge_index1, batch1, x2, edge_index2, batch2,
              W1a, b1a, W1b, b1b, W2a, b2a, W2b, b2b,
              Wt, Wf1, bf1, Wf2, bf2,
              Wm1, bm1, Wm2, bm2, Wm3, bm3):
    def gin_conv(x, ei, Wa, ba, Wb, bb):
        # GINConv (eps=0): mlp(x + sum_{j in N(i)} x_j), scatter-add over dst
        src, dst = ei[0], ei[1]
        agg = jnp.zeros_like(x).at[dst].add(x[src])
        h = x + agg
        h = jnp.maximum(h @ Wa + ba, 0.0)
        h = h @ Wb + bb
        return h

    def encode(x, ei):
        h = jax.nn.relu(gin_conv(x, ei, W1a, b1a, W1b, b1b))
        h = jax.nn.relu(gin_conv(h, ei, W2a, b2a, W2b, b2b))
        return h

    def mean_pool(h, b):
        s = jax.ops.segment_sum(h, b, num_segments=B)
        cnt = jax.ops.segment_sum(jnp.ones((h.shape[0],), h.dtype), b, num_segments=B)
        return s / jnp.maximum(cnt, 1.0)[:, None]

    n1 = encode(x1, edge_index1)
    n2 = encode(x2, edge_index2)
    g1 = mean_pool(n1, batch1)
    g2 = mean_pool(n2, batch2)

    # TensorNetworkModule: s_c = (g1 @ W[c]) . g2
    inter = jnp.einsum('bd,cde->cbe', g1, Wt)
    S = jnp.einsum('cbe,be->bc', inter, g2)
    S = jax.nn.relu(S @ Wf1 + bf1)
    S = jax.nn.relu(S @ Wf2 + bf2)

    feat = jnp.concatenate([g1, g2, S], axis=1)
    h = jax.nn.relu(feat @ Wm1 + bm1)  # dropout = identity (eval)
    h = jax.nn.relu(h @ Wm2 + bm2)
    out = (h @ Wm3 + bm3).squeeze(-1)
    return out

if __name__ == "__main__":
    import jax
    _d = setup_inputs()
    print(jax.jit(kernel)(*tuple(_d.values())))

</pallas_src>

<mosaic_0001>
#map = affine_map<(d0, d1) -> (0, 0)>
#map1 = affine_map<(d0, d1) -> (0, 0, 0, 0)>
module attributes {stable_mosaic.version = 14 : i64} {
  func.func @agg(%arg0: i32, %arg1: i32, %arg2: memref<10000x128xf32, #tpu.memory_space<hbm>>, %arg3: memref<10000x128xf32, #tpu.memory_space<hbm>>, %arg4: memref<2x16x625x32xi32, #tpu.memory_space<hbm>>, %arg5: memref<2x16x625x32xi32, #tpu.memory_space<hbm>>, %arg6: memref<20000x128xf32, #tpu.memory_space<hbm>>, %arg7: memref<10008x128xf32, #tpu.memory_space<vmem_shared>>, %arg8: memref<625x32xi32, #tpu.memory_space<vmem>>, %arg9: memref<625x32xi32, #tpu.memory_space<vmem>>, %arg10: memref<32x128xf32, #tpu.memory_space<vmem>>, %arg11: memref<32x128xf32, #tpu.memory_space<vmem>>, %arg12: memref<!tpu.dma_semaphore, #tpu.memory_space<semaphore_mem>>, %arg13: memref<!tpu.dma_semaphore, #tpu.memory_space<semaphore_mem>>) attributes {dimension_semantics = [#tpu.dimension_semantics<core_parallel>, #tpu.dimension_semantics<subcore_parallel>], iteration_bounds = array<i64: 2, 16>, scalar_prefetch = 0 : i64, scratch_operands = 7 : i64, tpu.core_type = #tpu.core_type<sc_vector_subcore>, window_params = [{transform_indices = #map}, {transform_indices = #map}, {transform_indices = #map1}, {transform_indices = #map1}, {transform_indices = #map}]} {
    %mul3A = arith.constant 10000 : i32
    %mul3A_0 = arith.muli %arg0, %mul3A : i32
    %mul3A_1 = arith.constant 632 : i32
    %mul3A_2 = arith.muli %arg1, %mul3A_1 : i32
    %add3A = arith.addi %mul3A_0, %mul3A_2 : i32
    %eq3A = arith.constant 0 : i32
    %eq3A_3 = arith.cmpi eq, %arg0, %eq3A : i32
    %convert_element_type3A = arith.extui %eq3A_3 : i1 to i32
    %cond3A = arith.constant 0 : i32
    %cond3A_4 = arith.cmpi ne, %convert_element_type3A, %cond3A : i32
    scf.if %cond3A_4 {
      %lt3A = arith.constant 15 : i32
      %lt3A_10 = arith.cmpi slt, %arg1, %lt3A : i32
      %convert_element_type3A_11 = arith.extui %lt3A_10 : i1 to i32
      %cond3A_12 = arith.constant 0 : i32
      %cond3A_13 = arith.cmpi ne, %convert_element_type3A_11, %cond3A_12 : i32
      scf.if %cond3A_13 {
        %mul3A_55 = arith.constant 632 : i32
        %mul3A_56 = arith.muli %arg1, %mul3A_55 : i32
        %mul3A_57 = arith.constant 632 : i32
        %mul3A_58 = arith.muli %arg1, %mul3A_57 : i32
        "tpu.region"() ({
          %run_scoped3A_59 = tpu.sem_alloc : memref<!tpu.dma_semaphore, #tpu.memory_space<semaphore_mem>>
          %dma_start3A_60 = arith.constant 0 : i32
          %dma_start3A_61 = tpu.memref_slice %arg7[%mul3A_58, %dma_start3A_60] : memref<10008x128xf32, #tpu.memory_space<vmem_shared>> -> memref<632x128xf32, #tpu.memory_space<vmem_shared>>
          %dma_start3A_62 = arith.constant 0 : i32
          %dma_start3A_63 = tpu.memref_slice %arg2[%mul3A_56, %dma_start3A_62] : memref<10000x128xf32, #tpu.memory_space<hbm>> -> memref<632x128xf32, #tpu.memory_space<hbm>>
          tpu.enqueue_dma source(%dma_start3A_63 : memref<632x128xf32, #tpu.memory_space<hbm>>) target(%dma_start3A_61 : memref<632x128xf32, #tpu.memory_space<vmem_shared>>) target_semaphore(%run_scoped3A_59 : memref<!tpu.dma_semaphore, #tpu.memory_space<semaphore_mem>>)
          %dma_wait3A_64 = arith.constant 0 : i32
          %dma_wait3A_65 = tpu.memref_slice %arg7[%mul3A_58, %dma_wait3A_64] : memref<10008x128xf32, #tpu.memory_space<vmem_shared>> -> memref<632x128xf32, #tpu.memory_space<vmem_shared>>
          %dma_wait3A_66 = arith.constant 0 : i32
          %dma_wait3A_67 = tpu.memref_slice %arg2[%mul3A_56, %dma_wait3A_66] : memref<10000x128xf32, #tpu.memory_space<hbm>> -> memref<632x128xf32, #tpu.memory_space<hbm>>
          tpu.wait_dma2 semaphore(%run_scoped3A_59 : memref<!tpu.dma_semaphore, #tpu.memory_space<semaphore_mem>>) src(%dma_wait3A_67 : memref<632x128xf32, #tpu.memory_space<hbm>>) dst(%dma_wait3A_65 : memref<632x128xf32, #tpu.memory_space<vmem_shared>>)
          tpu.yield
        }) : () -> ()
      } else {
      }
      %eq3A_14 = arith.constant 15 : i32
      %eq3A_15 = arith.cmpi eq, %arg1, %eq3A_14 : i32
      %convert_element_type3A_16 = arith.extui %eq3A_15 : i1 to i32
      %cond3A_17 = arith.constant 0 : i32
      %cond3A_18 = arith.cmpi ne, %convert_element_type3A_16, %cond3A_17 : i32
      scf.if %cond3A_18 {
        %mul3A_55 = arith.constant 632 : i32
        %mul3A_56 = arith.muli %arg1, %mul3A_55 : i32
        %mul3A_57 = arith.constant 632 : i32
        %mul3A_58 = arith.muli %arg1, %mul3A_57 : i32
        "tpu.region"() ({
          %run_scoped3A_59 = tpu.sem_alloc : memref<!tpu.dma_semaphore, #tpu.memory_space<semaphore_mem>>
          %dma_start3A_60 = arith.constant 0 : i32
          %dma_start3A_61 = tpu.memref_slice %arg7[%mul3A_58, %dma_start3A_60] : memref<10008x128xf32, #tpu.memory_space<vmem_shared>> -> memref<520x128xf32, #tpu.memory_space<vmem_shared>>
          %dma_start3A_62 = arith.constant 0 : i32
          %dma_start3A_63 = tpu.memref_slice %arg2[%mul3A_56, %dma_start3A_62] : memref<10000x128xf32, #tpu.memory_space<hbm>> -> memref<520x128xf32, #tpu.memory_space<hbm>>
          tpu.enqueue_dma source(%dma_start3A_63 : memref<520x128xf32, #tpu.memory_space<hbm>>) target(%dma_start3A_61 : memref<520x128xf32, #tpu.memory_space<vmem_shared>>) target_semaphore(%run_scoped3A_59 : memref<!tpu.dma_semaphore, #tpu.memory_space<semaphore_mem>>)
          %dma_wait3A_64 = arith.constant 0 : i32
          %dma_wait3A_65 = tpu.memref_slice %arg7[%mul3A_58, %dma_wait3A_64] : memref<10008x128xf32, #tpu.memory_space<vmem_shared>> -> memref<520x128xf32, #tpu.memory_space<vmem_shared>>
          %dma_wait3A_66 = arith.constant 0 : i32
          %dma_wait3A_67 = tpu.memref_slice %arg2[%mul3A_56, %dma_wait3A_66] : memref<10000x128xf32, #tpu.memory_space<hbm>> -> memref<520x128xf32, #tpu.memory_space<hbm>>
          tpu.wait_dma2 semaphore(%run_scoped3A_59 : memref<!tpu.dma_semaphore, #tpu.memory_space<semaphore_mem>>) src(%dma_wait3A_67 : memref<520x128xf32, #tpu.memory_space<hbm>>) dst(%dma_wait3A_65 : memref<520x128xf32, #tpu.memory_space<vmem_shared>>)
          tpu.yield
        }) : () -> ()
      } else {
      }
      %run_scoped3A = arith.constant 0 : i32
      "tpu.region"() ({
        %run_scoped3A_55 = tpu.sem_alloc : memref<!tpu.dma_semaphore, #tpu.memory_space<semaphore_mem>>
        %dma_start3A_56 = arith.constant 0 : i32
        %dma_start3A_57 = arith.constant 0 : i32
        %dma_start3A_58 = tpu.memref_slice %arg4[%run_scoped3A, %arg1, %dma_start3A_56, %dma_start3A_57] : memref<2x16x625x32xi32, #tpu.memory_space<hbm>> -> memref<1x1x625x32xi32, #tpu.memory_space<hbm>>
        %dma_start3A_59 = tpu.memref_squeeze %dma_start3A_58 : memref<1x1x625x32xi32, #tpu.memory_space<hbm>> -> memref<625x32xi32, #tpu.memory_space<hbm>>
        %dma_start3A_60 = arith.constant 0 : i32
        %dma_start3A_61 = arith.constant 0 : i32
        %dma_start3A_62 = tpu.memref_slice %arg4[%run_scoped3A, %arg1, %dma_start3A_60, %dma_start3A_61] : memref<2x16x625x32xi32, #tpu.memory_space<hbm>> -> memref<1x1x625x32xi32, #tpu.memory_space<hbm>>
        %dma_start3A_63 = tpu.memref_squeeze %dma_start3A_62 : memref<1x1x625x32xi32, #tpu.memory_space<hbm>> -> memref<625x32xi32, #tpu.memory_space<hbm>>
        tpu.enqueue_dma source(%dma_start3A_63 : memref<625x32xi32, #tpu.memory_space<hbm>>) target(%arg8 : memref<625x32xi32, #tpu.memory_space<vmem>>) target_semaphore(%run_scoped3A_55 : memref<!tpu.dma_semaphore, #tpu.memory_space<semaphore_mem>>)
        %dma_wait3A_64 = arith.constant 0 : i32
        %dma_wait3A_65 = arith.constant 0 : i32
        %dma_wait3A_66 = tpu.memref_slice %arg4[%run_scoped3A, %arg1, %dma_wait3A_64, %dma_wait3A_65] : memref<2x16x625x32xi32, #tpu.memory_space<hbm>> -> memref<1x1x625x32xi32, #tpu.memory_space<hbm>>
        %dma_wait3A_67 = tpu.memref_squeeze %dma_wait3A_66 : memref<1x1x625x32xi32, #tpu.memory_space<hbm>> -> memref<625x32xi32, #tpu.memory_space<hbm>>
        %dma_wait3A_68 = arith.constant 0 : i32
        %dma_wait3A_69 = arith.constant 0 : i32
        %dma_wait3A_70 = tpu.memref_slice %arg4[%run_scoped3A, %arg1, %dma_wait3A_68, %dma_wait3A_69] : memref<2x16x625x32xi32, #tpu.memory_space<hbm>> -> memref<1x1x625x32xi32, #tpu.memory_space<hbm>>
        %dma_wait3A_71 = tpu.memref_squeeze %dma_wait3A_70 : memref<1x1x625x32xi32, #tpu.memory_space<hbm>> -> memref<625x32xi32, #tpu.memory_space<hbm>>
        tpu.wait_dma2 semaphore(%run_scoped3A_55 : memref<!tpu.dma_semaphore, #tpu.memory_space<semaphore_mem>>) src(%dma_wait3A_71 : memref<625x32xi32, #tpu.memory_space<hbm>>) dst(%arg8 : memref<625x32xi32, #tpu.memory_space<vmem>>)
        tpu.yield
      }) : () -> ()
      %run_scoped3A_19 = arith.constant 1 : i32
      "tpu.region"() ({
        %run_scoped3A_55 = tpu.sem_alloc : memref<!tpu.dma_semaphore, #tpu.memory_space<semaphore_mem>>
        %dma_start3A_56 = arith.constant 0 : i32
        %dma_start3A_57 = arith.constant 0 : i32
        %dma_start3A_58 = tpu.memref_slice %arg4[%run_scoped3A_19, %arg1, %dma_start3A_56, %dma_start3A_57] : memref<2x16x625x32xi32, #tpu.memory_space<hbm>> -> memref<1x1x625x32xi32, #tpu.memory_space<hbm>>
        %dma_start3A_59 = tpu.memref_squeeze %dma_start3A_58 : memref<1x1x625x32xi32, #tpu.memory_space<hbm>> -> memref<625x32xi32, #tpu.memory_space<hbm>>
        %dma_start3A_60 = arith.constant 0 : i32
        %dma_start3A_61 = arith.constant 0 : i32
        %dma_start3A_62 = tpu.memref_slice %arg4[%run_scoped3A_19, %arg1, %dma_start3A_60, %dma_start3A_61] : memref<2x16x625x32xi32, #tpu.memory_space<hbm>> -> memref<1x1x625x32xi32, #tpu.memory_space<hbm>>
        %dma_start3A_63 = tpu.memref_squeeze %dma_start3A_62 : memref<1x1x625x32xi32, #tpu.memory_space<hbm>> -> memref<625x32xi32, #tpu.memory_space<hbm>>
        tpu.enqueue_dma source(%dma_start3A_63 : memref<625x32xi32, #tpu.memory_space<hbm>>) target(%arg9 : memref<625x32xi32, #tpu.memory_space<vmem>>) target_semaphore(%run_scoped3A_55 : memref<!tpu.dma_semaphore, #tpu.memory_space<semaphore_mem>>)
        %dma_wait3A_64 = arith.constant 0 : i32
        %dma_wait3A_65 = arith.constant 0 : i32
        %dma_wait3A_66 = tpu.memref_slice %arg4[%run_scoped3A_19, %arg1, %dma_wait3A_64, %dma_wait3A_65] : memref<2x16x625x32xi32, #tpu.memory_space<hbm>> -> memref<1x1x625x32xi32, #tpu.memory_space<hbm>>
        %dma_wait3A_67 = tpu.memref_squeeze %dma_wait3A_66 : memref<1x1x625x32xi32, #tpu.memory_space<hbm>> -> memref<625x32xi32, #tpu.memory_space<hbm>>
        %dma_wait3A_68 = arith.constant 0 : i32
        %dma_wait3A_69 = arith.constant 0 : i32
        %dma_wait3A_70 = tpu.memref_slice %arg4[%run_scoped3A_19, %arg1, %dma_wait3A_68, %dma_wait3A_69] : memref<2x16x625x32xi32, #tpu.memory_space<hbm>> -> memref<1x1x625x32xi32, #tpu.memory_space<hbm>>
        %dma_wait3A_71 = tpu.memref_squeeze %dma_wait3A_70 : memref<1x1x625x32xi32, #tpu.memory_space<hbm>> -> memref<625x32xi32, #tpu.memory_space<hbm>>
        tpu.wait_dma2 semaphore(%run_scoped3A_55 : memref<!tpu.dma_semaphore, #tpu.memory_space<semaphore_mem>>) src(%dma_wait3A_71 : memref<625x32xi32, #tpu.memory_space<hbm>>) dst(%arg9 : memref<625x32xi32, #tpu.memory_space<vmem>>)
        tpu.yield
      }) : () -> ()
      %barrier3A = arith.constant 0 : index
      tpu.barrier barrier_id(%barrier3A)
      %dma_start3A = arith.constant 0 : i32
      %dma_start3A_20 = arith.constant 0 : i32
      %dma_start3A_21 = tpu.memref_slice %arg8[%dma_start3A, %dma_start3A_20] : memref<625x32xi32, #tpu.memory_space<vmem>> -> memref<1x32xi32, #tpu.memory_space<vmem>>
      %dma_start3A_22 = tpu.memref_squeeze %dma_start3A_21 : memref<1x32xi32, #tpu.memory_space<vmem>> -> memref<32xi32, #tpu.memory_space<vmem>>
      %dma_start3A_23 = arith.constant 0 : i32
      %dma_start3A_24 = arith.constant 0 : i32
      %dma_start3A_25 = tpu.memref_slice %arg2[%dma_start3A_23, %dma_start3A_24] : memref<10000x128xf32, #tpu.memory_space<hbm>> -> memref<10000x128xf32, #tpu.memory_space<hbm>>
      tpu.enqueue_indirect_dma source(%dma_start3A_25 : memref<10000x128xf32, #tpu.memory_space<hbm>>) target(%arg10 : memref<32x128xf32, #tpu.memory_space<vmem>>) offsets(%dma_start3A_22 : memref<32xi32, #tpu.memory_space<vmem>>) semaphore(%arg12 : memref<!tpu.dma_semaphore, #tpu.memory_space<semaphore_mem>>)
      %dma_start3A_26 = arith.constant 1 : i32
      %dma_start3A_27 = arith.constant 0 : i32
      %dma_start3A_28 = tpu.memref_slice %arg8[%dma_start3A_26, %dma_start3A_27] : memref<625x32xi32, #tpu.memory_space<vmem>> -> memref<1x32xi32, #tpu.memory_space<vmem>>
      %dma_start3A_29 = tpu.memref_squeeze %dma_start3A_28 : memref<1x32xi32, #tpu.memory_space<vmem>> -> memref<32xi32, #tpu.memory_space<vmem>>
      %dma_start3A_30 = arith.constant 0 : i32
      %dma_start3A_31 = arith.constant 0 : i32
      %dma_start3A_32 = tpu.memref_slice %arg2[%dma_start3A_30, %dma_start3A_31] : memref<10000x128xf32, #tpu.memory_space<hbm>> -> memref<10000x128xf32, #tpu.memory_space<hbm>>
      tpu.enqueue_indirect_dma source(%dma_start3A_32 : memref<10000x128xf32, #tpu.memory_space<hbm>>) target(%arg11 : memref<32x128xf32, #tpu.memory_space<vmem>>) offsets(%dma_start3A_29 : memref<32xi32, #tpu.memory_space<vmem>>) semaphore(%arg13 : memref<!tpu.dma_semaphore, #tpu.memory_space<semaphore_mem>>)
      %scan3A = arith.constant 0 : i32
      %scan3A_33 = arith.constant 312 : i32
      %scan3A_34 = arith.addi %scan3A, %scan3A_33 : i32
      %scan3A_35 = arith.constant 1 : i32
      scf.for %scan3A_55 = %scan3A to %scan3A_34 step %scan3A_35  : i32 {
        %mul3A_56 = arith.constant 2 : i32
        %mul3A_57 = arith.muli %scan3A_55, %mul3A_56 : i32
        %add3A_58 = arith.constant 0 : i32
        %add3A_59 = arith.addi %add3A_58, %mul3A_57 : i32
        %dma_wait3A_60 = arith.constant 0 : i32
        %dma_wait3A_61 = tpu.memref_slice %arg8[%add3A_59, %dma_wait3A_60] : memref<625x32xi32, #tpu.memory_space<vmem>> -> memref<1x32xi32, #tpu.memory_space<vmem>>
        %dma_wait3A_62 = tpu.memref_squeeze %dma_wait3A_61 : memref<1x32xi32, #tpu.memory_space<vmem>> -> memref<32xi32, #tpu.memory_space<vmem>>
        %dma_wait3A_63 = arith.constant 0 : i32
        %dma_wait3A_64 = arith.constant 0 : i32
        %dma_wait3A_65 = tpu.memref_slice %arg2[%dma_wait3A_63, %dma_wait3A_64] : memref<10000x128xf32, #tpu.memory_space<hbm>> -> memref<10000x128xf32, #tpu.memory_space<hbm>>
        tpu.wait_indirect_dma semaphore(%arg12 : memref<!tpu.dma_semaphore, #tpu.memory_space<semaphore_mem>>) src(%dma_wait3A_65 : memref<10000x128xf32, #tpu.memory_space<hbm>>) dst(%arg10 : memref<32x128xf32, #tpu.memory_space<vmem>>)
        "tpu.region"() ({
          %run_scoped3A_90 = tpu.sem_alloc : memref<!tpu.dma_semaphore, #tpu.memory_space<semaphore_mem>>
          %dma_start3A_91 = arith.constant 0 : i32
          %dma_start3A_92 = tpu.memref_slice %arg9[%add3A_59, %dma_start3A_91] : memref<625x32xi32, #tpu.memory_space<vmem>> -> memref<1x32xi32, #tpu.memory_space<vmem>>
          %dma_start3A_93 = tpu.memref_squeeze %dma_start3A_92 : memref<1x32xi32, #tpu.memory_space<vmem>> -> memref<32xi32, #tpu.memory_space<vmem>>
          %dma_start3A_94 = arith.constant 0 : i32
          %dma_start3A_95 = arith.constant 0 : i32
          %dma_start3A_96 = tpu.memref_slice %arg7[%dma_start3A_94, %dma_start3A_95] : memref<10008x128xf32, #tpu.memory_space<vmem_shared>> -> memref<10008x128xf32, #tpu.memory_space<vmem_shared>>
          tpu.enqueue_indirect_dma source(%arg10 : memref<32x128xf32, #tpu.memory_space<vmem>>) target(%dma_start3A_96 : memref<10008x128xf32, #tpu.memory_space<vmem_shared>>) offsets(%dma_start3A_93 : memref<32xi32, #tpu.memory_space<vmem>>) semaphore(%run_scoped3A_90 : memref<!tpu.dma_semaphore, #tpu.memory_space<semaphore_mem>>) {add = true}
          %dma_wait3A_97 = arith.constant 0 : i32
          %dma_wait3A_98 = tpu.memref_slice %arg9[%add3A_59, %dma_wait3A_97] : memref<625x32xi32, #tpu.memory_space<vmem>> -> memref<1x32xi32, #tpu.memory_space<vmem>>
          %dma_wait3A_99 = tpu.memref_squeeze %dma_wait3A_98 : memref<1x32xi32, #tpu.memory_space<vmem>> -> memref<32xi32, #tpu.memory_space<vmem>>
          %dma_wait3A_100 = arith.constant 0 : i32
          %dma_wait3A_101 = arith.constant 0 : i32
          %dma_wait3A_102 = tpu.memref_slice %arg7[%dma_wait3A_100, %dma_wait3A_101] : memref<10008x128xf32, #tpu.memory_space<vmem_shared>> -> memref<10008x128xf32, #tpu.memory_space<vmem_shared>>
          tpu.wait_indirect_dma semaphore(%run_scoped3A_90 : memref<!tpu.dma_semaphore, #tpu.memory_space<semaphore_mem>>) src(%arg10 : memref<32x128xf32, #tpu.memory_space<vmem>>) dst(%dma_wait3A_102 : memref<10008x128xf32, #tpu.memory_space<vmem_shared>>)
          tpu.yield
        }) : () -> ()
        %add3A_66 = arith.constant 2 : i32
        %add3A_67 = arith.addi %add3A_59, %add3A_66 : i32
        %lt3A_68 = arith.constant 625 : i32
        %lt3A_69 = arith.cmpi slt, %add3A_67, %lt3A_68 : i32
        %convert_element_type3A_70 = arith.extui %lt3A_69 : i1 to i32
        %cond3A_71 = arith.constant 0 : i32
        %cond3A_72 = arith.cmpi ne, %convert_element_type3A_70, %cond3A_71 : i32
        scf.if %cond3A_72 {
          %add3A_90 = arith.constant 2 : i32
          %add3A_91 = arith.addi %add3A_59, %add3A_90 : i32
          %dma_start3A_92 = arith.constant 0 : i32
          %dma_start3A_93 = tpu.memref_slice %arg8[%add3A_91, %dma_start3A_92] : memref<625x32xi32, #tpu.memory_space<vmem>> -> memref<1x32xi32, #tpu.memory_space<vmem>>
          %dma_start3A_94 = tpu.memref_squeeze %dma_start3A_93 : memref<1x32xi32, #tpu.memory_space<vmem>> -> memref<32xi32, #tpu.memory_space<vmem>>
          %dma_start3A_95 = arith.constant 0 : i32
          %dma_start3A_96 = arith.constant 0 : i32
          %dma_start3A_97 = tpu.memref_slice %arg2[%dma_start3A_95, %dma_start3A_96] : memref<10000x128xf32, #tpu.memory_space<hbm>> -> memref<10000x128xf32, #tpu.memory_space<hbm>>
          tpu.enqueue_indirect_dma source(%dma_start3A_97 : memref<10000x128xf32, #tpu.memory_space<hbm>>) target(%arg10 : memref<32x128xf32, #tpu.memory_space<vmem>>) offsets(%dma_start3A_94 : memref<32xi32, #tpu.memory_space<vmem>>) semaphore(%arg12 : memref<!tpu.dma_semaphore, #tpu.memory_space<semaphore_mem>>)
        } else {
        }
        %add3A_73 = arith.constant 1 : i32
        %add3A_74 = arith.addi %add3A_59, %add3A_73 : i32
        %dma_wait3A_75 = arith.constant 0 : i32
        %dma_wait3A_76 = tpu.memref_slice %arg8[%add3A_74, %dma_wait3A_75] : memref<625x32xi32, #tpu.memory_space<vmem>> -> memref<1x32xi32, #tpu.memory_space<vmem>>
        %dma_wait3A_77 = tpu.memref_squeeze %dma_wait3A_76 : memref<1x32xi32, #tpu.memory_space<vmem>> -> memref<32xi32, #tpu.memory_space<vmem>>
        %dma_wait3A_78 = arith.constant 0 : i32
        %dma_wait3A_79 = arith.constant 0 : i32
        %dma_wait3A_80 = tpu.memref_slice %arg2[%dma_wait3A_78, %dma_wait3A_79] : memref<10000x128xf32, #tpu.memory_space<hbm>> -> memref<10000x128xf32, #tpu.memory_space<hbm>>
        tpu.wait_indirect_dma semaphore(%arg13 : memref<!tpu.dma_semaphore, #tpu.memory_space<semaphore_mem>>) src(%dma_wait3A_80 : memref<10000x128xf32, #tpu.memory_space<hbm>>) dst(%arg11 : memref<32x128xf32, #tpu.memory_space<vmem>>)
        %add3A_81 = arith.constant 1 : i32
        %add3A_82 = arith.addi %add3A_59, %add3A_81 : i32
        "tpu.region"() ({
          %run_scoped3A_90 = tpu.sem_alloc : memref<!tpu.dma_semaphore, #tpu.memory_space<semaphore_mem>>
          %dma_start3A_91 = arith.constant 0 : i32
          %dma_start3A_92 = tpu.memref_slice %arg9[%add3A_82, %dma_start3A_91] : memref<625x32xi32, #tpu.memory_space<vmem>> -> memref<1x32xi32, #tpu.memory_space<vmem>>
          %dma_start3A_93 = tpu.memref_squeeze %dma_start3A_92 : memref<1x32xi32, #tpu.memory_space<vmem>> -> memref<32xi32, #tpu.memory_space<vmem>>
          %dma_start3A_94 = arith.constant 0 : i32
          %dma_start3A_95 = arith.constant 0 : i32
          %dma_start3A_96 = tpu.memref_slice %arg7[%dma_start3A_94, %dma_start3A_95] : memref<10008x128xf32, #tpu.memory_space<vmem_shared>> -> memref<10008x128xf32, #tpu.memory_space<vmem_shared>>
          tpu.enqueue_indirect_dma source(%arg11 : memref<32x128xf32, #tpu.memory_space<vmem>>) target(%dma_start3A_96 : memref<10008x128xf32, #tpu.memory_space<vmem_shared>>) offsets(%dma_start3A_93 : memref<32xi32, #tpu.memory_space<vmem>>) semaphore(%run_scoped3A_90 : memref<!tpu.dma_semaphore, #tpu.memory_space<semaphore_mem>>) {add = true}
          %dma_wait3A_97 = arith.constant 0 : i32
          %dma_wait3A_98 = tpu.memref_slice %arg9[%add3A_82, %dma_wait3A_97] : memref<625x32xi32, #tpu.memory_space<vmem>> -> memref<1x32xi32, #tpu.memory_space<vmem>>
          %dma_wait3A_99 = tpu.memref_squeeze %dma_wait3A_98 : memref<1x32xi32, #tpu.memory_space<vmem>> -> memref<32xi32, #tpu.memory_space<vmem>>
          %dma_wait3A_100 = arith.constant 0 : i32
          %dma_wait3A_101 = arith.constant 0 : i32
          %dma_wait3A_102 = tpu.memref_slice %arg7[%dma_wait3A_100, %dma_wait3A_101] : memref<10008x128xf32, #tpu.memory_space<vmem_shared>> -> memref<10008x128xf32, #tpu.memory_space<vmem_shared>>
          tpu.wait_indirect_dma semaphore(%run_scoped3A_90 : memref<!tpu.dma_semaphore, #tpu.memory_space<semaphore_mem>>) src(%arg11 : memref<32x128xf32, #tpu.memory_space<vmem>>) dst(%dma_wait3A_102 : memref<10008x128xf32, #tpu.memory_space<vmem_shared>>)
          tpu.yield
        }) : () -> ()
        %add3A_83 = arith.constant 3 : i32
        %add3A_84 = arith.addi %add3A_59, %add3A_83 : i32
        %lt3A_85 = arith.constant 625 : i32
        %lt3A_86 = arith.cmpi slt, %add3A_84, %lt3A_85 : i32
        %convert_element_type3A_87 = arith.extui %lt3A_86 : i1 to i32
        %cond3A_88 = arith.constant 0 : i32
        %cond3A_89 = arith.cmpi ne, %convert_element_type3A_87, %cond3A_88 : i32
        scf.if %cond3A_89 {
          %add3A_90 = arith.constant 3 : i32
          %add3A_91 = arith.addi %add3A_59, %add3A_90 : i32
          %dma_start3A_92 = arith.constant 0 : i32
          %dma_start3A_93 = tpu.memref_slice %arg8[%add3A_91, %dma_start3A_92] : memref<625x32xi32, #tpu.memory_space<vmem>> -> memref<1x32xi32, #tpu.memory_space<vmem>>
          %dma_start3A_94 = tpu.memref_squeeze %dma_start3A_93 : memref<1x32xi32, #tpu.memory_space<vmem>> -> memref<32xi32, #tpu.memory_space<vmem>>
          %dma_start3A_95 = arith.constant 0 : i32
          %dma_start3A_96 = arith.constant 0 : i32
          %dma_start3A_97 = tpu.memref_slice %arg2[%dma_start3A_95, %dma_start3A_96] : memref<10000x128xf32, #tpu.memory_space<hbm>> -> memref<10000x128xf32, #tpu.memory_space<hbm>>
          tpu.enqueue_indirect_dma source(%dma_start3A_97 : memref<10000x128xf32, #tpu.memory_space<hbm>>) target(%arg11 : memref<32x128xf32, #tpu.memory_space<vmem>>) offsets(%dma_start3A_94 : memref<32xi32, #tpu.memory_space<vmem>>) semaphore(%arg13 : memref<!tpu.dma_semaphore, #tpu.memory_space<semaphore_mem>>)
        } else {
        }
      }
      %scan3A_36 = arith.constant 312 : i32
      %dma_wait3A = arith.constant 624 : i32
      %dma_wait3A_37 = arith.constant 0 : i32
      %dma_wait3A_38 = tpu.memref_slice %arg8[%dma_wait3A, %dma_wait3A_37] : memref<625x32xi32, #tpu.memory_space<vmem>> -> memref<1x32xi32, #tpu.memory_space<vmem>>
      %dma_wait3A_39 = tpu.memref_squeeze %dma_wait3A_38 : memref<1x32xi32, #tpu.memory_space<vmem>> -> memref<32xi32, #tpu.memory_space<vmem>>
      %dma_wait3A_40 = arith.constant 0 : i32
      %dma_wait3A_41 = arith.constant 0 : i32
      %dma_wait3A_42 = tpu.memref_slice %arg2[%dma_wait3A_40, %dma_wait3A_41] : memref<10000x128xf32, #tpu.memory_space<hbm>> -> memref<10000x128xf32, #tpu.memory_space<hbm>>
      tpu.wait_indirect_dma semaphore(%arg12 : memref<!tpu.dma_semaphore, #tpu.memory_space<semaphore_mem>>) src(%dma_wait3A_42 : memref<10000x128xf32, #tpu.memory_space<hbm>>) dst(%arg10 : memref<32x128xf32, #tpu.memory_space<vmem>>)
      %run_scoped3A_43 = arith.constant 624 : i32
      "tpu.region"() ({
        %run_scoped3A_55 = tpu.sem_alloc : memref<!tpu.dma_semaphore, #tpu.memory_space<semaphore_mem>>
        %dma_start3A_56 = arith.constant 0 : i32
        %dma_start3A_57 = tpu.memref_slice %arg9[%run_scoped3A_43, %dma_start3A_56] : memref<625x32xi32, #tpu.memory_space<vmem>> -> memref<1x32xi32, #tpu.memory_space<vmem>>
        %dma_start3A_58 = tpu.memref_squeeze %dma_start3A_57 : memref<1x32xi32, #tpu.memory_space<vmem>> -> memref<32xi32, #tpu.memory_space<vmem>>
        %dma_start3A_59 = arith.constant 0 : i32
        %dma_start3A_60 = arith.constant 0 : i32
        %dma_start3A_61 = tpu.memref_slice %arg7[%dma_start3A_59, %dma_start3A_60] : memref<10008x128xf32, #tpu.memory_space<vmem_shared>> -> memref<10008x128xf32, #tpu.memory_space<vmem_shared>>
        tpu.enqueue_indirect_dma source(%arg10 : memref<32x128xf32, #tpu.memory_space<vmem>>) target(%dma_start3A_61 : memref<10008x128xf32, #tpu.memory_space<vmem_shared>>) offsets(%dma_start3A_58 : memref<32xi32, #tpu.memory_space<vmem>>) semaphore(%run_scoped3A_55 : memref<!tpu.dma_semaphore, #tpu.memory_space<semaphore_mem>>) {add = true}
        %dma_wait3A_62 = arith.constant 0 : i32
        %dma_wait3A_63 = tpu.memref_slice %arg9[%run_scoped3A_43, %dma_wait3A_62] : memref<625x32xi32, #tpu.memory_space<vmem>> -> memref<1x32xi32, #tpu.memory_space<vmem>>
        %dma_wait3A_64 = tpu.memref_squeeze %dma_wait3A_63 : memref<1x32xi32, #tpu.memory_space<vmem>> -> memref<32xi32, #tpu.memory_space<vmem>>
        %dma_wait3A_65 = arith.constant 0 : i32
        %dma_wait3A_66 = arith.constant 0 : i32
        %dma_wait3A_67 = tpu.memref_slice %arg7[%dma_wait3A_65, %dma_wait3A_66] : memref<10008x128xf32, #tpu.memory_space<vmem_shared>> -> memref<10008x128xf32, #tpu.memory_space<vmem_shared>>
        tpu.wait_indirect_dma semaphore(%run_scoped3A_55 : memref<!tpu.dma_semaphore, #tpu.memory_space<semaphore_mem>>) src(%arg10 : memref<32x128xf32, #tpu.memory_space<vmem>>) dst(%dma_wait3A_67 : memref<10008x128xf32, #tpu.memory_space<vmem_shared>>)
        tpu.yield
      }) : () -> ()
      %barrier3A_44 = arith.constant 0 : index
      tpu.barrier barrier_id(%barrier3A_44)
      %lt3A_45 = arith.constant 15 : i32
      %lt3A_46 = arith.cmpi slt, %arg1, %lt3A_45 : i32
      %convert_element_type3A_47 = arith.extui %lt3A_46 : i1 to i32
      %cond3A_48 = arith.constant 0 : i32
      %cond3A_49 = arith.cmpi ne, %convert_element_type3A_47, %cond3A_48 : i32
      scf.if %cond3A_49 {
        %mul3A_55 = arith.constant 632 : i32
        %mul3A_56 = arith.muli %arg1, %mul3A_55 : i32
        "tpu.region"() ({
          %run_scoped3A_57 = tpu.sem_alloc : memref<!tpu.dma_semaphore, #tpu.memory_space<semaphore_mem>>
          %dma_start3A_58 = arith.constant 0 : i32
          %dma_start3A_59 = tpu.memref_slice %arg6[%add3A, %dma_start3A_58] : memref<20000x128xf32, #tpu.memory_space<hbm>> -> memref<632x128xf32, #tpu.memory_space<hbm>>
          %dma_start3A_60 = arith.constant 0 : i32
          %dma_start3A_61 = tpu.memref_slice %arg7[%mul3A_56, %dma_start3A_60] : memref<10008x128xf32, #tpu.memory_space<vmem_shared>> -> memref<632x128xf32, #tpu.memory_space<vmem_shared>>
          tpu.enqueue_dma source(%dma_start3A_61 : memref<632x128xf32, #tpu.memory_space<vmem_shared>>) target(%dma_start3A_59 : memref<632x128xf32, #tpu.memory_space<hbm>>) target_semaphore(%run_scoped3A_57 : memref<!tpu.dma_semaphore, #tpu.memory_space<semaphore_mem>>)
          %dma_wait3A_62 = arith.constant 0 : i32
          %dma_wait3A_63 = tpu.memref_slice %arg6[%add3A, %dma_wait3A_62] : memref<20000x128xf32, #tpu.memory_space<hbm>> -> memref<632x128xf32, #tpu.memory_space<hbm>>
          %dma_wait3A_64 = arith.constant 0 : i32
          %dma_wait3A_65 = tpu.memref_slice %arg7[%mul3A_56, %dma_wait3A_64] : memref<10008x128xf32, #tpu.memory_space<vmem_shared>> -> memref<632x128xf32, #tpu.memory_space<vmem_shared>>
          tpu.wait_dma2 semaphore(%run_scoped3A_57 : memref<!tpu.dma_semaphore, #tpu.memory_space<semaphore_mem>>) src(%dma_wait3A_65 : memref<632x128xf32, #tpu.memory_space<vmem_shared>>) dst(%dma_wait3A_63 : memref<632x128xf32, #tpu.memory_space<hbm>>)
          tpu.yield
        }) : () -> ()
      } else {
      }
      %eq3A_50 = arith.constant 15 : i32
      %eq3A_51 = arith.cmpi eq, %arg1, %eq3A_50 : i32
      %convert_element_type3A_52 = arith.extui %eq3A_51 : i1 to i32
      %cond3A_53 = arith.constant 0 : i32
      %cond3A_54 = arith.cmpi ne, %convert_element_type3A_52, %cond3A_53 : i32
      scf.if %cond3A_54 {
        %mul3A_55 = arith.constant 632 : i32
        %mul3A_56 = arith.muli %arg1, %mul3A_55 : i32
        "tpu.region"() ({
          %run_scoped3A_57 = tpu.sem_alloc : memref<!tpu.dma_semaphore, #tpu.memory_space<semaphore_mem>>
          %dma_start3A_58 = arith.constant 0 : i32
          %dma_start3A_59 = tpu.memref_slice %arg6[%add3A, %dma_start3A_58] : memref<20000x128xf32, #tpu.memory_space<hbm>> -> memref<520x128xf32, #tpu.memory_space<hbm>>
          %dma_start3A_60 = arith.constant 0 : i32
          %dma_start3A_61 = tpu.memref_slice %arg7[%mul3A_56, %dma_start3A_60] : memref<10008x128xf32, #tpu.memory_space<vmem_shared>> -> memref<520x128xf32, #tpu.memory_space<vmem_shared>>
          tpu.enqueue_dma source(%dma_start3A_61 : memref<520x128xf32, #tpu.memory_space<vmem_shared>>) target(%dma_start3A_59 : memref<520x128xf32, #tpu.memory_space<hbm>>) target_semaphore(%run_scoped3A_57 : memref<!tpu.dma_semaphore, #tpu.memory_space<semaphore_mem>>)
          %dma_wait3A_62 = arith.constant 0 : i32
          %dma_wait3A_63 = tpu.memref_slice %arg6[%add3A, %dma_wait3A_62] : memref<20000x128xf32, #tpu.memory_space<hbm>> -> memref<520x128xf32, #tpu.memory_space<hbm>>
          %dma_wait3A_64 = arith.constant 0 : i32
          %dma_wait3A_65 = tpu.memref_slice %arg7[%mul3A_56, %dma_wait3A_64] : memref<10008x128xf32, #tpu.memory_space<vmem_shared>> -> memref<520x128xf32, #tpu.memory_space<vmem_shared>>
          tpu.wait_dma2 semaphore(%run_scoped3A_57 : memref<!tpu.dma_semaphore, #tpu.memory_space<semaphore_mem>>) src(%dma_wait3A_65 : memref<520x128xf32, #tpu.memory_space<vmem_shared>>) dst(%dma_wait3A_63 : memref<520x128xf32, #tpu.memory_space<hbm>>)
          tpu.yield
        }) : () -> ()
      } else {
      }
    } else {
    }
    %eq3A_5 = arith.constant 1 : i32
    %eq3A_6 = arith.cmpi eq, %arg0, %eq3A_5 : i32
    %convert_element_type3A_7 = arith.extui %eq3A_6 : i1 to i32
    %cond3A_8 = arith.constant 0 : i32
    %cond3A_9 = arith.cmpi ne, %convert_element_type3A_7, %cond3A_8 : i32
    scf.if %cond3A_9 {
      %lt3A = arith.constant 15 : i32
      %lt3A_10 = arith.cmpi slt, %arg1, %lt3A : i32
      %convert_element_type3A_11 = arith.extui %lt3A_10 : i1 to i32
      %cond3A_12 = arith.constant 0 : i32
      %cond3A_13 = arith.cmpi ne, %convert_element_type3A_11, %cond3A_12 : i32
      scf.if %cond3A_13 {
        %mul3A_55 = arith.constant 632 : i32
        %mul3A_56 = arith.muli %arg1, %mul3A_55 : i32
        %mul3A_57 = arith.constant 632 : i32
        %mul3A_58 = arith.muli %arg1, %mul3A_57 : i32
        "tpu.region"() ({
          %run_scoped3A_59 = tpu.sem_alloc : memref<!tpu.dma_semaphore, #tpu.memory_space<semaphore_mem>>
          %dma_start3A_60 = arith.constant 0 : i32
          %dma_start3A_61 = tpu.memref_slice %arg7[%mul3A_58, %dma_start3A_60] : memref<10008x128xf32, #tpu.memory_space<vmem_shared>> -> memref<632x128xf32, #tpu.memory_space<vmem_shared>>
          %dma_start3A_62 = arith.constant 0 : i32
          %dma_start3A_63 = tpu.memref_slice %arg3[%mul3A_56, %dma_start3A_62] : memref<10000x128xf32, #tpu.memory_space<hbm>> -> memref<632x128xf32, #tpu.memory_space<hbm>>
          tpu.enqueue_dma source(%dma_start3A_63 : memref<632x128xf32, #tpu.memory_space<hbm>>) target(%dma_start3A_61 : memref<632x128xf32, #tpu.memory_space<vmem_shared>>) target_semaphore(%run_scoped3A_59 : memref<!tpu.dma_semaphore, #tpu.memory_space<semaphore_mem>>)
          %dma_wait3A_64 = arith.constant 0 : i32
          %dma_wait3A_65 = tpu.memref_slice %arg7[%mul3A_58, %dma_wait3A_64] : memref<10008x128xf32, #tpu.memory_space<vmem_shared>> -> memref<632x128xf32, #tpu.memory_space<vmem_shared>>
          %dma_wait3A_66 = arith.constant 0 : i32
          %dma_wait3A_67 = tpu.memref_slice %arg3[%mul3A_56, %dma_wait3A_66] : memref<10000x128xf32, #tpu.memory_space<hbm>> -> memref<632x128xf32, #tpu.memory_space<hbm>>
          tpu.wait_dma2 semaphore(%run_scoped3A_59 : memref<!tpu.dma_semaphore, #tpu.memory_space<semaphore_mem>>) src(%dma_wait3A_67 : memref<632x128xf32, #tpu.memory_space<hbm>>) dst(%dma_wait3A_65 : memref<632x128xf32, #tpu.memory_space<vmem_shared>>)
          tpu.yield
        }) : () -> ()
      } else {
      }
      %eq3A_14 = arith.constant 15 : i32
      %eq3A_15 = arith.cmpi eq, %arg1, %eq3A_14 : i32
      %convert_element_type3A_16 = arith.extui %eq3A_15 : i1 to i32
      %cond3A_17 = arith.constant 0 : i32
      %cond3A_18 = arith.cmpi ne, %convert_element_type3A_16, %cond3A_17 : i32
      scf.if %cond3A_18 {
        %mul3A_55 = arith.constant 632 : i32
        %mul3A_56 = arith.muli %arg1, %mul3A_55 : i32
        %mul3A_57 = arith.constant 632 : i32
        %mul3A_58 = arith.muli %arg1, %mul3A_57 : i32
        "tpu.region"() ({
          %run_scoped3A_59 = tpu.sem_alloc : memref<!tpu.dma_semaphore, #tpu.memory_space<semaphore_mem>>
          %dma_start3A_60 = arith.constant 0 : i32
          %dma_start3A_61 = tpu.memref_slice %arg7[%mul3A_58, %dma_start3A_60] : memref<10008x128xf32, #tpu.memory_space<vmem_shared>> -> memref<520x128xf32, #tpu.memory_space<vmem_shared>>
          %dma_start3A_62 = arith.constant 0 : i32
          %dma_start3A_63 = tpu.memref_slice %arg3[%mul3A_56, %dma_start3A_62] : memref<10000x128xf32, #tpu.memory_space<hbm>> -> memref<520x128xf32, #tpu.memory_space<hbm>>
          tpu.enqueue_dma source(%dma_start3A_63 : memref<520x128xf32, #tpu.memory_space<hbm>>) target(%dma_start3A_61 : memref<520x128xf32, #tpu.memory_space<vmem_shared>>) target_semaphore(%run_scoped3A_59 : memref<!tpu.dma_semaphore, #tpu.memory_space<semaphore_mem>>)
          %dma_wait3A_64 = arith.constant 0 : i32
          %dma_wait3A_65 = tpu.memref_slice %arg7[%mul3A_58, %dma_wait3A_64] : memref<10008x128xf32, #tpu.memory_space<vmem_shared>> -> memref<520x128xf32, #tpu.memory_space<vmem_shared>>
          %dma_wait3A_66 = arith.constant 0 : i32
          %dma_wait3A_67 = tpu.memref_slice %arg3[%mul3A_56, %dma_wait3A_66] : memref<10000x128xf32, #tpu.memory_space<hbm>> -> memref<520x128xf32, #tpu.memory_space<hbm>>
          tpu.wait_dma2 semaphore(%run_scoped3A_59 : memref<!tpu.dma_semaphore, #tpu.memory_space<semaphore_mem>>) src(%dma_wait3A_67 : memref<520x128xf32, #tpu.memory_space<hbm>>) dst(%dma_wait3A_65 : memref<520x128xf32, #tpu.memory_space<vmem_shared>>)
          tpu.yield
        }) : () -> ()
      } else {
      }
      %run_scoped3A = arith.constant 0 : i32
      "tpu.region"() ({
        %run_scoped3A_55 = tpu.sem_alloc : memref<!tpu.dma_semaphore, #tpu.memory_space<semaphore_mem>>
        %dma_start3A_56 = arith.constant 0 : i32
        %dma_start3A_57 = arith.constant 0 : i32
        %dma_start3A_58 = tpu.memref_slice %arg5[%run_scoped3A, %arg1, %dma_start3A_56, %dma_start3A_57] : memref<2x16x625x32xi32, #tpu.memory_space<hbm>> -> memref<1x1x625x32xi32, #tpu.memory_space<hbm>>
        %dma_start3A_59 = tpu.memref_squeeze %dma_start3A_58 : memref<1x1x625x32xi32, #tpu.memory_space<hbm>> -> memref<625x32xi32, #tpu.memory_space<hbm>>
        %dma_start3A_60 = arith.constant 0 : i32
        %dma_start3A_61 = arith.constant 0 : i32
        %dma_start3A_62 = tpu.memref_slice %arg5[%run_scoped3A, %arg1, %dma_start3A_60, %dma_start3A_61] : memref<2x16x625x32xi32, #tpu.memory_space<hbm>> -> memref<1x1x625x32xi32, #tpu.memory_space<hbm>>
        %dma_start3A_63 = tpu.memref_squeeze %dma_start3A_62 : memref<1x1x625x32xi32, #tpu.memory_space<hbm>> -> memref<625x32xi32, #tpu.memory_space<hbm>>
        tpu.enqueue_dma source(%dma_start3A_63 : memref<625x32xi32, #tpu.memory_space<hbm>>) target(%arg8 : memref<625x32xi32, #tpu.memory_space<vmem>>) target_semaphore(%run_scoped3A_55 : memref<!tpu.dma_semaphore, #tpu.memory_space<semaphore_mem>>)
        %dma_wait3A_64 = arith.constant 0 : i32
        %dma_wait3A_65 = arith.constant 0 : i32
        %dma_wait3A_66 = tpu.memref_slice %arg5[%run_scoped3A, %arg1, %dma_wait3A_64, %dma_wait3A_65] : memref<2x16x625x32xi32, #tpu.memory_space<hbm>> -> memref<1x1x625x32xi32, #tpu.memory_space<hbm>>
        %dma_wait3A_67 = tpu.memref_squeeze %dma_wait3A_66 : memref<1x1x625x32xi32, #tpu.memory_space<hbm>> -> memref<625x32xi32, #tpu.memory_space<hbm>>
        %dma_wait3A_68 = arith.constant 0 : i32
        %dma_wait3A_69 = arith.constant 0 : i32
        %dma_wait3A_70 = tpu.memref_slice %arg5[%run_scoped3A, %arg1, %dma_wait3A_68, %dma_wait3A_69] : memref<2x16x625x32xi32, #tpu.memory_space<hbm>> -> memref<1x1x625x32xi32, #tpu.memory_space<hbm>>
        %dma_wait3A_71 = tpu.memref_squeeze %dma_wait3A_70 : memref<1x1x625x32xi32, #tpu.memory_space<hbm>> -> memref<625x32xi32, #tpu.memory_space<hbm>>
        tpu.wait_dma2 semaphore(%run_scoped3A_55 : memref<!tpu.dma_semaphore, #tpu.memory_space<semaphore_mem>>) src(%dma_wait3A_71 : memref<625x32xi32, #tpu.memory_space<hbm>>) dst(%arg8 : memref<625x32xi32, #tpu.memory_space<vmem>>)
        tpu.yield
      }) : () -> ()
      %run_scoped3A_19 = arith.constant 1 : i32
      "tpu.region"() ({
        %run_scoped3A_55 = tpu.sem_alloc : memref<!tpu.dma_semaphore, #tpu.memory_space<semaphore_mem>>
        %dma_start3A_56 = arith.constant 0 : i32
        %dma_start3A_57 = arith.constant 0 : i32
        %dma_start3A_58 = tpu.memref_slice %arg5[%run_scoped3A_19, %arg1, %dma_start3A_56, %dma_start3A_57] : memref<2x16x625x32xi32, #tpu.memory_space<hbm>> -> memref<1x1x625x32xi32, #tpu.memory_space<hbm>>
        %dma_start3A_59 = tpu.memref_squeeze %dma_start3A_58 : memref<1x1x625x32xi32, #tpu.memory_space<hbm>> -> memref<625x32xi32, #tpu.memory_space<hbm>>
        %dma_start3A_60 = arith.constant 0 : i32
        %dma_start3A_61 = arith.constant 0 : i32
        %dma_start3A_62 = tpu.memref_slice %arg5[%run_scoped3A_19, %arg1, %dma_start3A_60, %dma_start3A_61] : memref<2x16x625x32xi32, #tpu.memory_space<hbm>> -> memref<1x1x625x32xi32, #tpu.memory_space<hbm>>
        %dma_start3A_63 = tpu.memref_squeeze %dma_start3A_62 : memref<1x1x625x32xi32, #tpu.memory_space<hbm>> -> memref<625x32xi32, #tpu.memory_space<hbm>>
        tpu.enqueue_dma source(%dma_start3A_63 : memref<625x32xi32, #tpu.memory_space<hbm>>) target(%arg9 : memref<625x32xi32, #tpu.memory_space<vmem>>) target_semaphore(%run_scoped3A_55 : memref<!tpu.dma_semaphore, #tpu.memory_space<semaphore_mem>>)
        %dma_wait3A_64 = arith.constant 0 : i32
        %dma_wait3A_65 = arith.constant 0 : i32
        %dma_wait3A_66 = tpu.memref_slice %arg5[%run_scoped3A_19, %arg1, %dma_wait3A_64, %dma_wait3A_65] : memref<2x16x625x32xi32, #tpu.memory_space<hbm>> -> memref<1x1x625x32xi32, #tpu.memory_space<hbm>>
        %dma_wait3A_67 = tpu.memref_squeeze %dma_wait3A_66 : memref<1x1x625x32xi32, #tpu.memory_space<hbm>> -> memref<625x32xi32, #tpu.memory_space<hbm>>
        %dma_wait3A_68 = arith.constant 0 : i32
        %dma_wait3A_69 = arith.constant 0 : i32
        %dma_wait3A_70 = tpu.memref_slice %arg5[%run_scoped3A_19, %arg1, %dma_wait3A_68, %dma_wait3A_69] : memref<2x16x625x32xi32, #tpu.memory_space<hbm>> -> memref<1x1x625x32xi32, #tpu.memory_space<hbm>>
        %dma_wait3A_71 = tpu.memref_squeeze %dma_wait3A_70 : memref<1x1x625x32xi32, #tpu.memory_space<hbm>> -> memref<625x32xi32, #tpu.memory_space<hbm>>
        tpu.wait_dma2 semaphore(%run_scoped3A_55 : memref<!tpu.dma_semaphore, #tpu.memory_space<semaphore_mem>>) src(%dma_wait3A_71 : memref<625x32xi32, #tpu.memory_space<hbm>>) dst(%arg9 : memref<625x32xi32, #tpu.memory_space<vmem>>)
        tpu.yield
      }) : () -> ()
      %barrier3A = arith.constant 0 : index
      tpu.barrier barrier_id(%barrier3A)
      %dma_start3A = arith.constant 0 : i32
      %dma_start3A_20 = arith.constant 0 : i32
      %dma_start3A_21 = tpu.memref_slice %arg8[%dma_start3A, %dma_start3A_20] : memref<625x32xi32, #tpu.memory_space<vmem>> -> memref<1x32xi32, #tpu.memory_space<vmem>>
      %dma_start3A_22 = tpu.memref_squeeze %dma_start3A_21 : memref<1x32xi32, #tpu.memory_space<vmem>> -> memref<32xi32, #tpu.memory_space<vmem>>
      %dma_start3A_23 = arith.constant 0 : i32
      %dma_start3A_24 = arith.constant 0 : i32
      %dma_start3A_25 = tpu.memref_slice %arg3[%dma_start3A_23, %dma_start3A_24] : memref<10000x128xf32, #tpu.memory_space<hbm>> -> memref<10000x128xf32, #tpu.memory_space<hbm>>
      tpu.enqueue_indirect_dma source(%dma_start3A_25 : memref<10000x128xf32, #tpu.memory_space<hbm>>) target(%arg10 : memref<32x128xf32, #tpu.memory_space<vmem>>) offsets(%dma_start3A_22 : memref<32xi32, #tpu.memory_space<vmem>>) semaphore(%arg12 : memref<!tpu.dma_semaphore, #tpu.memory_space<semaphore_mem>>)
      %dma_start3A_26 = arith.constant 1 : i32
      %dma_start3A_27 = arith.constant 0 : i32
      %dma_start3A_28 = tpu.memref_slice %arg8[%dma_start3A_26, %dma_start3A_27] : memref<625x32xi32, #tpu.memory_space<vmem>> -> memref<1x32xi32, #tpu.memory_space<vmem>>
      %dma_start3A_29 = tpu.memref_squeeze %dma_start3A_28 : memref<1x32xi32, #tpu.memory_space<vmem>> -> memref<32xi32, #tpu.memory_space<vmem>>
      %dma_start3A_30 = arith.constant 0 : i32
      %dma_start3A_31 = arith.constant 0 : i32
      %dma_start3A_32 = tpu.memref_slice %arg3[%dma_start3A_30, %dma_start3A_31] : memref<10000x128xf32, #tpu.memory_space<hbm>> -> memref<10000x128xf32, #tpu.memory_space<hbm>>
      tpu.enqueue_indirect_dma source(%dma_start3A_32 : memref<10000x128xf32, #tpu.memory_space<hbm>>) target(%arg11 : memref<32x128xf32, #tpu.memory_space<vmem>>) offsets(%dma_start3A_29 : memref<32xi32, #tpu.memory_space<vmem>>) semaphore(%arg13 : memref<!tpu.dma_semaphore, #tpu.memory_space<semaphore_mem>>)
      %scan3A = arith.constant 0 : i32
      %scan3A_33 = arith.constant 312 : i32
      %scan3A_34 = arith.addi %scan3A, %scan3A_33 : i32
      %scan3A_35 = arith.constant 1 : i32
      scf.for %scan3A_55 = %scan3A to %scan3A_34 step %scan3A_35  : i32 {
        %mul3A_56 = arith.constant 2 : i32
        %mul3A_57 = arith.muli %scan3A_55, %mul3A_56 : i32
        %add3A_58 = arith.constant 0 : i32
        %add3A_59 = arith.addi %add3A_58, %mul3A_57 : i32
        %dma_wait3A_60 = arith.constant 0 : i32
        %dma_wait3A_61 = tpu.memref_slice %arg8[%add3A_59, %dma_wait3A_60] : memref<625x32xi32, #tpu.memory_space<vmem>> -> memref<1x32xi32, #tpu.memory_space<vmem>>
        %dma_wait3A_62 = tpu.memref_squeeze %dma_wait3A_61 : memref<1x32xi32, #tpu.memory_space<vmem>> -> memref<32xi32, #tpu.memory_space<vmem>>
        %dma_wait3A_63 = arith.constant 0 : i32
        %dma_wait3A_64 = arith.constant 0 : i32
        %dma_wait3A_65 = tpu.memref_slice %arg3[%dma_wait3A_63, %dma_wait3A_64] : memref<10000x128xf32, #tpu.memory_space<hbm>> -> memref<10000x128xf32, #tpu.memory_space<hbm>>
        tpu.wait_indirect_dma semaphore(%arg12 : memref<!tpu.dma_semaphore, #tpu.memory_space<semaphore_mem>>) src(%dma_wait3A_65 : memref<10000x128xf32, #tpu.memory_space<hbm>>) dst(%arg10 : memref<32x128xf32, #tpu.memory_space<vmem>>)
        "tpu.region"() ({
          %run_scoped3A_90 = tpu.sem_alloc : memref<!tpu.dma_semaphore, #tpu.memory_space<semaphore_mem>>
          %dma_start3A_91 = arith.constant 0 : i32
          %dma_start3A_92 = tpu.memref_slice %arg9[%add3A_59, %dma_start3A_91] : memref<625x32xi32, #tpu.memory_space<vmem>> -> memref<1x32xi32, #tpu.memory_space<vmem>>
          %dma_start3A_93 = tpu.memref_squeeze %dma_start3A_92 : memref<1x32xi32, #tpu.memory_space<vmem>> -> memref<32xi32, #tpu.memory_space<vmem>>
          %dma_start3A_94 = arith.constant 0 : i32
          %dma_start3A_95 = arith.constant 0 : i32
          %dma_start3A_96 = tpu.memref_slice %arg7[%dma_start3A_94, %dma_start3A_95] : memref<10008x128xf32, #tpu.memory_space<vmem_shared>> -> memref<10008x128xf32, #tpu.memory_space<vmem_shared>>
          tpu.enqueue_indirect_dma source(%arg10 : memref<32x128xf32, #tpu.memory_space<vmem>>) target(%dma_start3A_96 : memref<10008x128xf32, #tpu.memory_space<vmem_shared>>) offsets(%dma_start3A_93 : memref<32xi32, #tpu.memory_space<vmem>>) semaphore(%run_scoped3A_90 : memref<!tpu.dma_semaphore, #tpu.memory_space<semaphore_mem>>) {add = true}
          %dma_wait3A_97 = arith.constant 0 : i32
          %dma_wait3A_98 = tpu.memref_slice %arg9[%add3A_59, %dma_wait3A_97] : memref<625x32xi32, #tpu.memory_space<vmem>> -> memref<1x32xi32, #tpu.memory_space<vmem>>
          %dma_wait3A_99 = tpu.memref_squeeze %dma_wait3A_98 : memref<1x32xi32, #tpu.memory_space<vmem>> -> memref<32xi32, #tpu.memory_space<vmem>>
          %dma_wait3A_100 = arith.constant 0 : i32
          %dma_wait3A_101 = arith.constant 0 : i32
          %dma_wait3A_102 = tpu.memref_slice %arg7[%dma_wait3A_100, %dma_wait3A_101] : memref<10008x128xf32, #tpu.memory_space<vmem_shared>> -> memref<10008x128xf32, #tpu.memory_space<vmem_shared>>
          tpu.wait_indirect_dma semaphore(%run_scoped3A_90 : memref<!tpu.dma_semaphore, #tpu.memory_space<semaphore_mem>>) src(%arg10 : memref<32x128xf32, #tpu.memory_space<vmem>>) dst(%dma_wait3A_102 : memref<10008x128xf32, #tpu.memory_space<vmem_shared>>)
          tpu.yield
        }) : () -> ()
        %add3A_66 = arith.constant 2 : i32
        %add3A_67 = arith.addi %add3A_59, %add3A_66 : i32
        %lt3A_68 = arith.constant 625 : i32
        %lt3A_69 = arith.cmpi slt, %add3A_67, %lt3A_68 : i32
        %convert_element_type3A_70 = arith.extui %lt3A_69 : i1 to i32
        %cond3A_71 = arith.constant 0 : i32
        %cond3A_72 = arith.cmpi ne, %convert_element_type3A_70, %cond3A_71 : i32
        scf.if %cond3A_72 {
          %add3A_90 = arith.constant 2 : i32
          %add3A_91 = arith.addi %add3A_59, %add3A_90 : i32
          %dma_start3A_92 = arith.constant 0 : i32
          %dma_start3A_93 = tpu.memref_slice %arg8[%add3A_91, %dma_start3A_92] : memref<625x32xi32, #tpu.memory_space<vmem>> -> memref<1x32xi32, #tpu.memory_space<vmem>>
          %dma_start3A_94 = tpu.memref_squeeze %dma_start3A_93 : memref<1x32xi32, #tpu.memory_space<vmem>> -> memref<32xi32, #tpu.memory_space<vmem>>
          %dma_start3A_95 = arith.constant 0 : i32
          %dma_start3A_96 = arith.constant 0 : i32
          %dma_start3A_97 = tpu.memref_slice %arg3[%dma_start3A_95, %dma_start3A_96] : memref<10000x128xf32, #tpu.memory_space<hbm>> -> memref<10000x128xf32, #tpu.memory_space<hbm>>
          tpu.enqueue_indirect_dma source(%dma_start3A_97 : memref<10000x128xf32, #tpu.memory_space<hbm>>) target(%arg10 : memref<32x128xf32, #tpu.memory_space<vmem>>) offsets(%dma_start3A_94 : memref<32xi32, #tpu.memory_space<vmem>>) semaphore(%arg12 : memref<!tpu.dma_semaphore, #tpu.memory_space<semaphore_mem>>)
        } else {
        }
        %add3A_73 = arith.constant 1 : i32
        %add3A_74 = arith.addi %add3A_59, %add3A_73 : i32
        %dma_wait3A_75 = arith.constant 0 : i32
        %dma_wait3A_76 = tpu.memref_slice %arg8[%add3A_74, %dma_wait3A_75] : memref<625x32xi32, #tpu.memory_space<vmem>> -> memref<1x32xi32, #tpu.memory_space<vmem>>
        %dma_wait3A_77 = tpu.memref_squeeze %dma_wait3A_76 : memref<1x32xi32, #tpu.memory_space<vmem>> -> memref<32xi32, #tpu.memory_space<vmem>>
        %dma_wait3A_78 = arith.constant 0 : i32
        %dma_wait3A_79 = arith.constant 0 : i32
        %dma_wait3A_80 = tpu.memref_slice %arg3[%dma_wait3A_78, %dma_wait3A_79] : memref<10000x128xf32, #tpu.memory_space<hbm>> -> memref<10000x128xf32, #tpu.memory_space<hbm>>
        tpu.wait_indirect_dma semaphore(%arg13 : memref<!tpu.dma_semaphore, #tpu.memory_space<semaphore_mem>>) src(%dma_wait3A_80 : memref<10000x128xf32, #tpu.memory_space<hbm>>) dst(%arg11 : memref<32x128xf32, #tpu.memory_space<vmem>>)
        %add3A_81 = arith.constant 1 : i32
        %add3A_82 = arith.addi %add3A_59, %add3A_81 : i32
        "tpu.region"() ({
          %run_scoped3A_90 = tpu.sem_alloc : memref<!tpu.dma_semaphore, #tpu.memory_space<semaphore_mem>>
          %dma_start3A_91 = arith.constant 0 : i32
          %dma_start3A_92 = tpu.memref_slice %arg9[%add3A_82, %dma_start3A_91] : memref<625x32xi32, #tpu.memory_space<vmem>> -> memref<1x32xi32, #tpu.memory_space<vmem>>
          %dma_start3A_93 = tpu.memref_squeeze %dma_start3A_92 : memref<1x32xi32, #tpu.memory_space<vmem>> -> memref<32xi32, #tpu.memory_space<vmem>>
          %dma_start3A_94 = arith.constant 0 : i32
          %dma_start3A_95 = arith.constant 0 : i32
          %dma_start3A_96 = tpu.memref_slice %arg7[%dma_start3A_94, %dma_start3A_95] : memref<10008x128xf32, #tpu.memory_space<vmem_shared>> -> memref<10008x128xf32, #tpu.memory_space<vmem_shared>>
          tpu.enqueue_indirect_dma source(%arg11 : memref<32x128xf32, #tpu.memory_space<vmem>>) target(%dma_start3A_96 : memref<10008x128xf32, #tpu.memory_space<vmem_shared>>) offsets(%dma_start3A_93 : memref<32xi32, #tpu.memory_space<vmem>>) semaphore(%run_scoped3A_90 : memref<!tpu.dma_semaphore, #tpu.memory_space<semaphore_mem>>) {add = true}
          %dma_wait3A_97 = arith.constant 0 : i32
          %dma_wait3A_98 = tpu.memref_slice %arg9[%add3A_82, %dma_wait3A_97] : memref<625x32xi32, #tpu.memory_space<vmem>> -> memref<1x32xi32, #tpu.memory_space<vmem>>
          %dma_wait3A_99 = tpu.memref_squeeze %dma_wait3A_98 : memref<1x32xi32, #tpu.memory_space<vmem>> -> memref<32xi32, #tpu.memory_space<vmem>>
          %dma_wait3A_100 = arith.constant 0 : i32
          %dma_wait3A_101 = arith.constant 0 : i32
          %dma_wait3A_102 = tpu.memref_slice %arg7[%dma_wait3A_100, %dma_wait3A_101] : memref<10008x128xf32, #tpu.memory_space<vmem_shared>> -> memref<10008x128xf32, #tpu.memory_space<vmem_shared>>
          tpu.wait_indirect_dma semaphore(%run_scoped3A_90 : memref<!tpu.dma_semaphore, #tpu.memory_space<semaphore_mem>>) src(%arg11 : memref<32x128xf32, #tpu.memory_space<vmem>>) dst(%dma_wait3A_102 : memref<10008x128xf32, #tpu.memory_space<vmem_shared>>)
          tpu.yield
        }) : () -> ()
        %add3A_83 = arith.constant 3 : i32
        %add3A_84 = arith.addi %add3A_59, %add3A_83 : i32
        %lt3A_85 = arith.constant 625 : i32
        %lt3A_86 = arith.cmpi slt, %add3A_84, %lt3A_85 : i32
        %convert_element_type3A_87 = arith.extui %lt3A_86 : i1 to i32
        %cond3A_88 = arith.constant 0 : i32
        %cond3A_89 = arith.cmpi ne, %convert_element_type3A_87, %cond3A_88 : i32
        scf.if %cond3A_89 {
          %add3A_90 = arith.constant 3 : i32
          %add3A_91 = arith.addi %add3A_59, %add3A_90 : i32
          %dma_start3A_92 = arith.constant 0 : i32
          %dma_start3A_93 = tpu.memref_slice %arg8[%add3A_91, %dma_start3A_92] : memref<625x32xi32, #tpu.memory_space<vmem>> -> memref<1x32xi32, #tpu.memory_space<vmem>>
          %dma_start3A_94 = tpu.memref_squeeze %dma_start3A_93 : memref<1x32xi32, #tpu.memory_space<vmem>> -> memref<32xi32, #tpu.memory_space<vmem>>
          %dma_start3A_95 = arith.constant 0 : i32
          %dma_start3A_96 = arith.constant 0 : i32
          %dma_start3A_97 = tpu.memref_slice %arg3[%dma_start3A_95, %dma_start3A_96] : memref<10000x128xf32, #tpu.memory_space<hbm>> -> memref<10000x128xf32, #tpu.memory_space<hbm>>
          tpu.enqueue_indirect_dma source(%dma_start3A_97 : memref<10000x128xf32, #tpu.memory_space<hbm>>) target(%arg11 : memref<32x128xf32, #tpu.memory_space<vmem>>) offsets(%dma_start3A_94 : memref<32xi32, #tpu.memory_space<vmem>>) semaphore(%arg13 : memref<!tpu.dma_semaphore, #tpu.memory_space<semaphore_mem>>)
        } else {
        }
      }
      %scan3A_36 = arith.constant 312 : i32
      %dma_wait3A = arith.constant 624 : i32
      %dma_wait3A_37 = arith.constant 0 : i32
      %dma_wait3A_38 = tpu.memref_slice %arg8[%dma_wait3A, %dma_wait3A_37] : memref<625x32xi32, #tpu.memory_space<vmem>> -> memref<1x32xi32, #tpu.memory_space<vmem>>
      %dma_wait3A_39 = tpu.memref_squeeze %dma_wait3A_38 : memref<1x32xi32, #tpu.memory_space<vmem>> -> memref<32xi32, #tpu.memory_space<vmem>>
      %dma_wait3A_40 = arith.constant 0 : i32
      %dma_wait3A_41 = arith.constant 0 : i32
      %dma_wait3A_42 = tpu.memref_slice %arg3[%dma_wait3A_40, %dma_wait3A_41] : memref<10000x128xf32, #tpu.memory_space<hbm>> -> memref<10000x128xf32, #tpu.memory_space<hbm>>
      tpu.wait_indirect_dma semaphore(%arg12 : memref<!tpu.dma_semaphore, #tpu.memory_space<semaphore_mem>>) src(%dma_wait3A_42 : memref<10000x128xf32, #tpu.memory_space<hbm>>) dst(%arg10 : memref<32x128xf32, #tpu.memory_space<vmem>>)
      %run_scoped3A_43 = arith.constant 624 : i32
      "tpu.region"() ({
        %run_scoped3A_55 = tpu.sem_alloc : memref<!tpu.dma_semaphore, #tpu.memory_space<semaphore_mem>>
        %dma_start3A_56 = arith.constant 0 : i32
        %dma_start3A_57 = tpu.memref_slice %arg9[%run_scoped3A_43, %dma_start3A_56] : memref<625x32xi32, #tpu.memory_space<vmem>> -> memref<1x32xi32, #tpu.memory_space<vmem>>
        %dma_start3A_58 = tpu.memref_squeeze %dma_start3A_57 : memref<1x32xi32, #tpu.memory_space<vmem>> -> memref<32xi32, #tpu.memory_space<vmem>>
        %dma_start3A_59 = arith.constant 0 : i32
        %dma_start3A_60 = arith.constant 0 : i32
        %dma_start3A_61 = tpu.memref_slice %arg7[%dma_start3A_59, %dma_start3A_60] : memref<10008x128xf32, #tpu.memory_space<vmem_shared>> -> memref<10008x128xf32, #tpu.memory_space<vmem_shared>>
        tpu.enqueue_indirect_dma source(%arg10 : memref<32x128xf32, #tpu.memory_space<vmem>>) target(%dma_start3A_61 : memref<10008x128xf32, #tpu.memory_space<vmem_shared>>) offsets(%dma_start3A_58 : memref<32xi32, #tpu.memory_space<vmem>>) semaphore(%run_scoped3A_55 : memref<!tpu.dma_semaphore, #tpu.memory_space<semaphore_mem>>) {add = true}
        %dma_wait3A_62 = arith.constant 0 : i32
        %dma_wait3A_63 = tpu.memref_slice %arg9[%run_scoped3A_43, %dma_wait3A_62] : memref<625x32xi32, #tpu.memory_space<vmem>> -> memref<1x32xi32, #tpu.memory_space<vmem>>
        %dma_wait3A_64 = tpu.memref_squeeze %dma_wait3A_63 : memref<1x32xi32, #tpu.memory_space<vmem>> -> memref<32xi32, #tpu.memory_space<vmem>>
        %dma_wait3A_65 = arith.constant 0 : i32
        %dma_wait3A_66 = arith.constant 0 : i32
        %dma_wait3A_67 = tpu.memref_slice %arg7[%dma_wait3A_65, %dma_wait3A_66] : memref<10008x128xf32, #tpu.memory_space<vmem_shared>> -> memref<10008x128xf32, #tpu.memory_space<vmem_shared>>
        tpu.wait_indirect_dma semaphore(%run_scoped3A_55 : memref<!tpu.dma_semaphore, #tpu.memory_space<semaphore_mem>>) src(%arg10 : memref<32x128xf32, #tpu.memory_space<vmem>>) dst(%dma_wait3A_67 : memref<10008x128xf32, #tpu.memory_space<vmem_shared>>)
        tpu.yield
      }) : () -> ()
      %barrier3A_44 = arith.constant 0 : index
      tpu.barrier barrier_id(%barrier3A_44)
      %lt3A_45 = arith.constant 15 : i32
      %lt3A_46 = arith.cmpi slt, %arg1, %lt3A_45 : i32
      %convert_element_type3A_47 = arith.extui %lt3A_46 : i1 to i32
      %cond3A_48 = arith.constant 0 : i32
      %cond3A_49 = arith.cmpi ne, %convert_element_type3A_47, %cond3A_48 : i32
      scf.if %cond3A_49 {
        %mul3A_55 = arith.constant 632 : i32
        %mul3A_56 = arith.muli %arg1, %mul3A_55 : i32
        "tpu.region"() ({
          %run_scoped3A_57 = tpu.sem_alloc : memref<!tpu.dma_semaphore, #tpu.memory_space<semaphore_mem>>
          %dma_start3A_58 = arith.constant 0 : i32
          %dma_start3A_59 = tpu.memref_slice %arg6[%add3A, %dma_start3A_58] : memref<20000x128xf32, #tpu.memory_space<hbm>> -> memref<632x128xf32, #tpu.memory_space<hbm>>
          %dma_start3A_60 = arith.constant 0 : i32
          %dma_start3A_61 = tpu.memref_slice %arg7[%mul3A_56, %dma_start3A_60] : memref<10008x128xf32, #tpu.memory_space<vmem_shared>> -> memref<632x128xf32, #tpu.memory_space<vmem_shared>>
          tpu.enqueue_dma source(%dma_start3A_61 : memref<632x128xf32, #tpu.memory_space<vmem_shared>>) target(%dma_start3A_59 : memref<632x128xf32, #tpu.memory_space<hbm>>) target_semaphore(%run_scoped3A_57 : memref<!tpu.dma_semaphore, #tpu.memory_space<semaphore_mem>>)
          %dma_wait3A_62 = arith.constant 0 : i32
          %dma_wait3A_63 = tpu.memref_slice %arg6[%add3A, %dma_wait3A_62] : memref<20000x128xf32, #tpu.memory_space<hbm>> -> memref<632x128xf32, #tpu.memory_space<hbm>>
          %dma_wait3A_64 = arith.constant 0 : i32
          %dma_wait3A_65 = tpu.memref_slice %arg7[%mul3A_56, %dma_wait3A_64] : memref<10008x128xf32, #tpu.memory_space<vmem_shared>> -> memref<632x128xf32, #tpu.memory_space<vmem_shared>>
          tpu.wait_dma2 semaphore(%run_scoped3A_57 : memref<!tpu.dma_semaphore, #tpu.memory_space<semaphore_mem>>) src(%dma_wait3A_65 : memref<632x128xf32, #tpu.memory_space<vmem_shared>>) dst(%dma_wait3A_63 : memref<632x128xf32, #tpu.memory_space<hbm>>)
          tpu.yield
        }) : () -> ()
      } else {
      }
      %eq3A_50 = arith.constant 15 : i32
      %eq3A_51 = arith.cmpi eq, %arg1, %eq3A_50 : i32
      %convert_element_type3A_52 = arith.extui %eq3A_51 : i1 to i32
      %cond3A_53 = arith.constant 0 : i32
      %cond3A_54 = arith.cmpi ne, %convert_element_type3A_52, %cond3A_53 : i32
      scf.if %cond3A_54 {
        %mul3A_55 = arith.constant 632 : i32
        %mul3A_56 = arith.muli %arg1, %mul3A_55 : i32
        "tpu.region"() ({
          %run_scoped3A_57 = tpu.sem_alloc : memref<!tpu.dma_semaphore, #tpu.memory_space<semaphore_mem>>
          %dma_start3A_58 = arith.constant 0 : i32
          %dma_start3A_59 = tpu.memref_slice %arg6[%add3A, %dma_start3A_58] : memref<20000x128xf32, #tpu.memory_space<hbm>> -> memref<520x128xf32, #tpu.memory_space<hbm>>
          %dma_start3A_60 = arith.constant 0 : i32
          %dma_start3A_61 = tpu.memref_slice %arg7[%mul3A_56, %dma_start3A_60] : memref<10008x128xf32, #tpu.memory_space<vmem_shared>> -> memref<520x128xf32, #tpu.memory_space<vmem_shared>>
          tpu.enqueue_dma source(%dma_start3A_61 : memref<520x128xf32, #tpu.memory_space<vmem_shared>>) target(%dma_start3A_59 : memref<520x128xf32, #tpu.memory_space<hbm>>) target_semaphore(%run_scoped3A_57 : memref<!tpu.dma_semaphore, #tpu.memory_space<semaphore_mem>>)
          %dma_wait3A_62 = arith.constant 0 : i32
          %dma_wait3A_63 = tpu.memref_slice %arg6[%add3A, %dma_wait3A_62] : memref<20000x128xf32, #tpu.memory_space<hbm>> -> memref<520x128xf32, #tpu.memory_space<hbm>>
          %dma_wait3A_64 = arith.constant 0 : i32
          %dma_wait3A_65 = tpu.memref_slice %arg7[%mul3A_56, %dma_wait3A_64] : memref<10008x128xf32, #tpu.memory_space<vmem_shared>> -> memref<520x128xf32, #tpu.memory_space<vmem_shared>>
          tpu.wait_dma2 semaphore(%run_scoped3A_57 : memref<!tpu.dma_semaphore, #tpu.memory_space<semaphore_mem>>) src(%dma_wait3A_65 : memref<520x128xf32, #tpu.memory_space<vmem_shared>>) dst(%dma_wait3A_63 : memref<520x128xf32, #tpu.memory_space<hbm>>)
          tpu.yield
        }) : () -> ()
      } else {
      }
    } else {
    }
    return
  }
}

#map = affine_map<(d0, d1) -> (0, 0)>
#map1 = affine_map<(d0, d1) -> (0, 0, 0)>
module attributes {stable_mosaic.version = 14 : i64} {
  func.func @agg(%arg0: i32, %arg1: i32, %arg2: memref<20000x64xf32, #tpu.memory_space<hbm>>, %arg3: memref<32x158x128xi32, #tpu.memory_space<hbm>>, %arg4: memref<32x158x128xi32, #tpu.memory_space<hbm>>, %arg5: memref<20000x64xf32, #tpu.memory_space<hbm>>, %arg6: memref<10008x64xf32, #tpu.memory_space<vmem_shared>>, %arg7: memref<158x128xi32, #tpu.memory_space<vmem>>, %arg8: memref<158x128xi32, #tpu.memory_space<vmem>>, %arg9: memref<128x64xf32, #tpu.memory_space<vmem>>, %arg10: memref<128x64xf32, #tpu.memory_space<vmem>>, %arg11: memref<!tpu.dma_semaphore, #tpu.memory_space<semaphore_mem>>, %arg12: memref<!tpu.dma_semaphore, #tpu.memory_space<semaphore_mem>>) attributes {dimension_semantics = [#tpu.dimension_semantics<core_parallel>, #tpu.dimension_semantics<subcore_parallel>], iteration_bounds = array<i64: 2, 16>, scalar_prefetch = 0 : i64, scratch_operands = 7 : i64, tpu.core_type = #tpu.core_type<sc_vector_subcore>, window_params = [{transform_indices = #map}, {transform_indices = #map1}, {transform_indices = #map1}, {transform_indices = #map}]} {
    %mul3A = arith.constant 16 : i32
    %mul3A_0 = arith.muli %arg0, %mul3A : i32
    %add3A = arith.addi %mul3A_0, %arg1 : i32
    %mul3A_1 = arith.constant 10000 : i32
    %mul3A_2 = arith.muli %arg0, %mul3A_1 : i32
    %mul3A_3 = arith.constant 632 : i32
    %mul3A_4 = arith.muli %arg1, %mul3A_3 : i32
    %add3A_5 = arith.addi %mul3A_2, %mul3A_4 : i32
    %lt3A = arith.constant 15 : i32
    %lt3A_6 = arith.cmpi slt, %arg1, %lt3A : i32
    %convert_element_type3A = arith.extui %lt3A_6 : i1 to i32
    %cond3A = arith.constant 0 : i32
    %cond3A_7 = arith.cmpi ne, %convert_element_type3A, %cond3A : i32
    scf.if %cond3A_7 {
      %mul3A_40 = arith.constant 632 : i32
      %mul3A_41 = arith.muli %arg1, %mul3A_40 : i32
      "tpu.region"() ({
        %run_scoped3A = tpu.sem_alloc : memref<!tpu.dma_semaphore, #tpu.memory_space<semaphore_mem>>
        %dma_start3A_42 = arith.constant 0 : i32
        %dma_start3A_43 = tpu.memref_slice %arg6[%mul3A_41, %dma_start3A_42] : memref<10008x64xf32, #tpu.memory_space<vmem_shared>> -> memref<632x64xf32, #tpu.memory_space<vmem_shared>>
        %dma_start3A_44 = arith.constant 0 : i32
        %dma_start3A_45 = tpu.memref_slice %arg2[%add3A_5, %dma_start3A_44] : memref<20000x64xf32, #tpu.memory_space<hbm>> -> memref<632x64xf32, #tpu.memory_space<hbm>>
        tpu.enqueue_dma source(%dma_start3A_45 : memref<632x64xf32, #tpu.memory_space<hbm>>) target(%dma_start3A_43 : memref<632x64xf32, #tpu.memory_space<vmem_shared>>) target_semaphore(%run_scoped3A : memref<!tpu.dma_semaphore, #tpu.memory_space<semaphore_mem>>)
        %dma_wait3A = arith.constant 0 : i32
        %dma_wait3A_46 = tpu.memref_slice %arg6[%mul3A_41, %dma_wait3A] : memref<10008x64xf32, #tpu.memory_space<vmem_shared>> -> memref<632x64xf32, #tpu.memory_space<vmem_shared>>
        %dma_wait3A_47 = arith.constant 0 : i32
        %dma_wait3A_48 = tpu.memref_slice %arg2[%add3A_5, %dma_wait3A_47] : memref<20000x64xf32, #tpu.memory_space<hbm>> -> memref<632x64xf32, #tpu.memory_space<hbm>>
        tpu.wait_dma2 semaphore(%run_scoped3A : memref<!tpu.dma_semaphore, #tpu.memory_space<semaphore_mem>>) src(%dma_wait3A_48 : memref<632x64xf32, #tpu.memory_space<hbm>>) dst(%dma_wait3A_46 : memref<632x64xf32, #tpu.memory_space<vmem_shared>>)
        tpu.yield
      }) : () -> ()
    } else {
    }
    %eq3A = arith.constant 15 : i32
    %eq3A_8 = arith.cmpi eq, %arg1, %eq3A : i32
    %convert_element_type3A_9 = arith.extui %eq3A_8 : i1 to i32
    %cond3A_10 = arith.constant 0 : i32
    %cond3A_11 = arith.cmpi ne, %convert_element_type3A_9, %cond3A_10 : i32
    scf.if %cond3A_11 {
      %mul3A_40 = arith.constant 632 : i32
      %mul3A_41 = arith.muli %arg1, %mul3A_40 : i32
      "tpu.region"() ({
        %run_scoped3A = tpu.sem_alloc : memref<!tpu.dma_semaphore, #tpu.memory_space<semaphore_mem>>
        %dma_start3A_42 = arith.constant 0 : i32
        %dma_start3A_43 = tpu.memref_slice %arg6[%mul3A_41, %dma_start3A_42] : memref<10008x64xf32, #tpu.memory_space<vmem_shared>> -> memref<520x64xf32, #tpu.memory_space<vmem_shared>>
        %dma_start3A_44 = arith.constant 0 : i32
        %dma_start3A_45 = tpu.memref_slice %arg2[%add3A_5, %dma_start3A_44] : memref<20000x64xf32, #tpu.memory_space<hbm>> -> memref<520x64xf32, #tpu.memory_space<hbm>>
        tpu.enqueue_dma source(%dma_start3A_45 : memref<520x64xf32, #tpu.memory_space<hbm>>) target(%dma_start3A_43 : memref<520x64xf32, #tpu.memory_space<vmem_shared>>) target_semaphore(%run_scoped3A : memref<!tpu.dma_semaphore, #tpu.memory_space<semaphore_mem>>)
        %dma_wait3A = arith.constant 0 : i32
        %dma_wait3A_46 = tpu.memref_slice %arg6[%mul3A_41, %dma_wait3A] : memref<10008x64xf32, #tpu.memory_space<vmem_shared>> -> memref<520x64xf32, #tpu.memory_space<vmem_shared>>
        %dma_wait3A_47 = arith.constant 0 : i32
        %dma_wait3A_48 = tpu.memref_slice %arg2[%add3A_5, %dma_wait3A_47] : memref<20000x64xf32, #tpu.memory_space<hbm>> -> memref<520x64xf32, #tpu.memory_space<hbm>>
        tpu.wait_dma2 semaphore(%run_scoped3A : memref<!tpu.dma_semaphore, #tpu.memory_space<semaphore_mem>>) src(%dma_wait3A_48 : memref<520x64xf32, #tpu.memory_space<hbm>>) dst(%dma_wait3A_46 : memref<520x64xf32, #tpu.memory_space<vmem_shared>>)
        tpu.yield
      }) : () -> ()
    } else {
    }
    "tpu.region"() ({
      %run_scoped3A = tpu.sem_alloc : memref<!tpu.dma_semaphore, #tpu.memory_space<semaphore_mem>>
      %dma_start3A_40 = arith.constant 0 : i32
      %dma_start3A_41 = arith.constant 0 : i32
      %dma_start3A_42 = tpu.memref_slice %arg3[%add3A, %dma_start3A_40, %dma_start3A_41] : memref<32x158x128xi32, #tpu.memory_space<hbm>> -> memref<1x158x128xi32, #tpu.memory_space<hbm>>
      %dma_start3A_43 = tpu.memref_squeeze %dma_start3A_42 : memref<1x158x128xi32, #tpu.memory_space<hbm>> -> memref<158x128xi32, #tpu.memory_space<hbm>>
      %dma_start3A_44 = arith.constant 0 : i32
      %dma_start3A_45 = arith.constant 0 : i32
      %dma_start3A_46 = tpu.memref_slice %arg3[%add3A, %dma_start3A_44, %dma_start3A_45] : memref<32x158x128xi32, #tpu.memory_space<hbm>> -> memref<1x158x128xi32, #tpu.memory_space<hbm>>
      %dma_start3A_47 = tpu.memref_squeeze %dma_start3A_46 : memref<1x158x128xi32, #tpu.memory_space<hbm>> -> memref<158x128xi32, #tpu.memory_space<hbm>>
      tpu.enqueue_dma source(%dma_start3A_47 : memref<158x128xi32, #tpu.memory_space<hbm>>) target(%arg7 : memref<158x128xi32, #tpu.memory_space<vmem>>) target_semaphore(%run_scoped3A : memref<!tpu.dma_semaphore, #tpu.memory_space<semaphore_mem>>)
      %dma_wait3A = arith.constant 0 : i32
      %dma_wait3A_48 = arith.constant 0 : i32
      %dma_wait3A_49 = tpu.memref_slice %arg3[%add3A, %dma_wait3A, %dma_wait3A_48] : memref<32x158x128xi32, #tpu.memory_space<hbm>> -> memref<1x158x128xi32, #tpu.memory_space<hbm>>
      %dma_wait3A_50 = tpu.memref_squeeze %dma_wait3A_49 : memref<1x158x128xi32, #tpu.memory_space<hbm>> -> memref<158x128xi32, #tpu.memory_space<hbm>>
      %dma_wait3A_51 = arith.constant 0 : i32
      %dma_wait3A_52 = arith.constant 0 : i32
      %dma_wait3A_53 = tpu.memref_slice %arg3[%add3A, %dma_wait3A_51, %dma_wait3A_52] : memref<32x158x128xi32, #tpu.memory_space<hbm>> -> memref<1x158x128xi32, #tpu.memory_space<hbm>>
      %dma_wait3A_54 = tpu.memref_squeeze %dma_wait3A_53 : memref<1x158x128xi32, #tpu.memory_space<hbm>> -> memref<158x128xi32, #tpu.memory_space<hbm>>
      tpu.wait_dma2 semaphore(%run_scoped3A : memref<!tpu.dma_semaphore, #tpu.memory_space<semaphore_mem>>) src(%dma_wait3A_54 : memref<158x128xi32, #tpu.memory_space<hbm>>) dst(%arg7 : memref<158x128xi32, #tpu.memory_space<vmem>>)
      tpu.yield
    }) : () -> ()
    "tpu.region"() ({
      %run_scoped3A = tpu.sem_alloc : memref<!tpu.dma_semaphore, #tpu.memory_space<semaphore_mem>>
      %dma_start3A_40 = arith.constant 0 : i32
      %dma_start3A_41 = arith.constant 0 : i32
      %dma_start3A_42 = tpu.memref_slice %arg4[%add3A, %dma_start3A_40, %dma_start3A_41] : memref<32x158x128xi32, #tpu.memory_space<hbm>> -> memref<1x158x128xi32, #tpu.memory_space<hbm>>
      %dma_start3A_43 = tpu.memref_squeeze %dma_start3A_42 : memref<1x158x128xi32, #tpu.memory_space<hbm>> -> memref<158x128xi32, #tpu.memory_space<hbm>>
      %dma_start3A_44 = arith.constant 0 : i32
      %dma_start3A_45 = arith.constant 0 : i32
      %dma_start3A_46 = tpu.memref_slice %arg4[%add3A, %dma_start3A_44, %dma_start3A_45] : memref<32x158x128xi32, #tpu.memory_space<hbm>> -> memref<1x158x128xi32, #tpu.memory_space<hbm>>
      %dma_start3A_47 = tpu.memref_squeeze %dma_start3A_46 : memref<1x158x128xi32, #tpu.memory_space<hbm>> -> memref<158x128xi32, #tpu.memory_space<hbm>>
      tpu.enqueue_dma source(%dma_start3A_47 : memref<158x128xi32, #tpu.memory_space<hbm>>) target(%arg8 : memref<158x128xi32, #tpu.memory_space<vmem>>) target_semaphore(%run_scoped3A : memref<!tpu.dma_semaphore, #tpu.memory_space<semaphore_mem>>)
      %dma_wait3A = arith.constant 0 : i32
      %dma_wait3A_48 = arith.constant 0 : i32
      %dma_wait3A_49 = tpu.memref_slice %arg4[%add3A, %dma_wait3A, %dma_wait3A_48] : memref<32x158x128xi32, #tpu.memory_space<hbm>> -> memref<1x158x128xi32, #tpu.memory_space<hbm>>
      %dma_wait3A_50 = tpu.memref_squeeze %dma_wait3A_49 : memref<1x158x128xi32, #tpu.memory_space<hbm>> -> memref<158x128xi32, #tpu.memory_space<hbm>>
      %dma_wait3A_51 = arith.constant 0 : i32
      %dma_wait3A_52 = arith.constant 0 : i32
      %dma_wait3A_53 = tpu.memref_slice %arg4[%add3A, %dma_wait3A_51, %dma_wait3A_52] : memref<32x158x128xi32, #tpu.memory_space<hbm>> -> memref<1x158x128xi32, #tpu.memory_space<hbm>>
      %dma_wait3A_54 = tpu.memref_squeeze %dma_wait3A_53 : memref<1x158x128xi32, #tpu.memory_space<hbm>> -> memref<158x128xi32, #tpu.memory_space<hbm>>
      tpu.wait_dma2 semaphore(%run_scoped3A : memref<!tpu.dma_semaphore, #tpu.memory_space<semaphore_mem>>) src(%dma_wait3A_54 : memref<158x128xi32, #tpu.memory_space<hbm>>) dst(%arg8 : memref<158x128xi32, #tpu.memory_space<vmem>>)
      tpu.yield
    }) : () -> ()
    %barrier3A = arith.constant 0 : index
    tpu.barrier barrier_id(%barrier3A)
    %dma_start3A = arith.constant 0 : i32
    %dma_start3A_12 = arith.constant 0 : i32
    %dma_start3A_13 = tpu.memref_slice %arg7[%dma_start3A, %dma_start3A_12] : memref<158x128xi32, #tpu.memory_space<vmem>> -> memref<1x128xi32, #tpu.memory_space<vmem>>
    %dma_start3A_14 = tpu.memref_squeeze %dma_start3A_13 : memref<1x128xi32, #tpu.memory_space<vmem>> -> memref<128xi32, #tpu.memory_space<vmem>>
    %dma_start3A_15 = arith.constant 0 : i32
    %dma_start3A_16 = arith.constant 0 : i32
    %dma_start3A_17 = tpu.memref_slice %arg2[%dma_start3A_15, %dma_start3A_16] : memref<20000x64xf32, #tpu.memory_space<hbm>> -> memref<20000x64xf32, #tpu.memory_space<hbm>>
    tpu.enqueue_indirect_dma source(%dma_start3A_17 : memref<20000x64xf32, #tpu.memory_space<hbm>>) target(%arg9 : memref<128x64xf32, #tpu.memory_space<vmem>>) offsets(%dma_start3A_14 : memref<128xi32, #tpu.memory_space<vmem>>) semaphore(%arg11 : memref<!tpu.dma_semaphore, #tpu.memory_space<semaphore_mem>>)
    %dma_start3A_18 = arith.constant 1 : i32
    %dma_start3A_19 = arith.constant 0 : i32
    %dma_start3A_20 = tpu.memref_slice %arg7[%dma_start3A_18, %dma_start3A_19] : memref<158x128xi32, #tpu.memory_space<vmem>> -> memref<1x128xi32, #tpu.memory_space<vmem>>
    %dma_start3A_21 = tpu.memref_squeeze %dma_start3A_20 : memref<1x128xi32, #tpu.memory_space<vmem>> -> memref<128xi32, #tpu.memory_space<vmem>>
    %dma_start3A_22 = arith.constant 0 : i32
    %dma_start3A_23 = arith.constant 0 : i32
    %dma_start3A_24 = tpu.memref_slice %arg2[%dma_start3A_22, %dma_start3A_23] : memref<20000x64xf32, #tpu.memory_space<hbm>> -> memref<20000x64xf32, #tpu.memory_space<hbm>>
    tpu.enqueue_indirect_dma source(%dma_start3A_24 : memref<20000x64xf32, #tpu.memory_space<hbm>>) target(%arg10 : memref<128x64xf32, #tpu.memory_space<vmem>>) offsets(%dma_start3A_21 : memref<128xi32, #tpu.memory_space<vmem>>) semaphore(%arg12 : memref<!tpu.dma_semaphore, #tpu.memory_space<semaphore_mem>>)
    %scan3A = arith.constant 0 : i32
    %scan3A_25 = arith.constant 79 : i32
    %scan3A_26 = arith.addi %scan3A, %scan3A_25 : i32
    %scan3A_27 = arith.constant 1 : i32
    scf.for %scan3A_40 = %scan3A to %scan3A_26 step %scan3A_27  : i32 {
      %mul3A_41 = arith.constant 2 : i32
      %mul3A_42 = arith.muli %scan3A_40, %mul3A_41 : i32
      %add3A_43 = arith.constant 0 : i32
      %add3A_44 = arith.addi %add3A_43, %mul3A_42 : i32
      %dma_wait3A = arith.constant 0 : i32
      %dma_wait3A_45 = tpu.memref_slice %arg7[%add3A_44, %dma_wait3A] : memref<158x128xi32, #tpu.memory_space<vmem>> -> memref<1x128xi32, #tpu.memory_space<vmem>>
      %dma_wait3A_46 = tpu.memref_squeeze %dma_wait3A_45 : memref<1x128xi32, #tpu.memory_space<vmem>> -> memref<128xi32, #tpu.memory_space<vmem>>
      %dma_wait3A_47 = arith.constant 0 : i32
      %dma_wait3A_48 = arith.constant 0 : i32
      %dma_wait3A_49 = tpu.memref_slice %arg2[%dma_wait3A_47, %dma_wait3A_48] : memref<20000x64xf32, #tpu.memory_space<hbm>> -> memref<20000x64xf32, #tpu.memory_space<hbm>>
      tpu.wait_indirect_dma semaphore(%arg11 : memref<!tpu.dma_semaphore, #tpu.memory_space<semaphore_mem>>) src(%dma_wait3A_49 : memref<20000x64xf32, #tpu.memory_space<hbm>>) dst(%arg9 : memref<128x64xf32, #tpu.memory_space<vmem>>)
      "tpu.region"() ({
        %run_scoped3A = tpu.sem_alloc : memref<!tpu.dma_semaphore, #tpu.memory_space<semaphore_mem>>
        %dma_start3A_74 = arith.constant 0 : i32
        %dma_start3A_75 = tpu.memref_slice %arg8[%add3A_44, %dma_start3A_74] : memref<158x128xi32, #tpu.memory_space<vmem>> -> memref<1x128xi32, #tpu.memory_space<vmem>>
        %dma_start3A_76 = tpu.memref_squeeze %dma_start3A_75 : memref<1x128xi32, #tpu.memory_space<vmem>> -> memref<128xi32, #tpu.memory_space<vmem>>
        %dma_start3A_77 = arith.constant 0 : i32
        %dma_start3A_78 = arith.constant 0 : i32
        %dma_start3A_79 = tpu.memref_slice %arg6[%dma_start3A_77, %dma_start3A_78] : memref<10008x64xf32, #tpu.memory_space<vmem_shared>> -> memref<10008x64xf32, #tpu.memory_space<vmem_shared>>
        tpu.enqueue_indirect_dma source(%arg9 : memref<128x64xf32, #tpu.memory_space<vmem>>) target(%dma_start3A_79 : memref<10008x64xf32, #tpu.memory_space<vmem_shared>>) offsets(%dma_start3A_76 : memref<128xi32, #tpu.memory_space<vmem>>) semaphore(%run_scoped3A : memref<!tpu.dma_semaphore, #tpu.memory_space<semaphore_mem>>) {add = true}
        %dma_wait3A_80 = arith.constant 0 : i32
        %dma_wait3A_81 = tpu.memref_slice %arg8[%add3A_44, %dma_wait3A_80] : memref<158x128xi32, #tpu.memory_space<vmem>> -> memref<1x128xi32, #tpu.memory_space<vmem>>
        %dma_wait3A_82 = tpu.memref_squeeze %dma_wait3A_81 : memref<1x128xi32, #tpu.memory_space<vmem>> -> memref<128xi32, #tpu.memory_space<vmem>>
        %dma_wait3A_83 = arith.constant 0 : i32
        %dma_wait3A_84 = arith.constant 0 : i32
        %dma_wait3A_85 = tpu.memref_slice %arg6[%dma_wait3A_83, %dma_wait3A_84] : memref<10008x64xf32, #tpu.memory_space<vmem_shared>> -> memref<10008x64xf32, #tpu.memory_space<vmem_shared>>
        tpu.wait_indirect_dma semaphore(%run_scoped3A : memref<!tpu.dma_semaphore, #tpu.memory_space<semaphore_mem>>) src(%arg9 : memref<128x64xf32, #tpu.memory_space<vmem>>) dst(%dma_wait3A_85 : memref<10008x64xf32, #tpu.memory_space<vmem_shared>>)
        tpu.yield
      }) : () -> ()
      %add3A_50 = arith.constant 2 : i32
      %add3A_51 = arith.addi %add3A_44, %add3A_50 : i32
      %lt3A_52 = arith.constant 158 : i32
      %lt3A_53 = arith.cmpi slt, %add3A_51, %lt3A_52 : i32
      %convert_element_type3A_54 = arith.extui %lt3A_53 : i1 to i32
      %cond3A_55 = arith.constant 0 : i32
      %cond3A_56 = arith.cmpi ne, %convert_element_type3A_54, %cond3A_55 : i32
      scf.if %cond3A_56 {
        %add3A_74 = arith.constant 2 : i32
        %add3A_75 = arith.addi %add3A_44, %add3A_74 : i32
        %dma_start3A_76 = arith.constant 0 : i32
        %dma_start3A_77 = tpu.memref_slice %arg7[%add3A_75, %dma_start3A_76] : memref<158x128xi32, #tpu.memory_space<vmem>> -> memref<1x128xi32, #tpu.memory_space<vmem>>
        %dma_start3A_78 = tpu.memref_squeeze %dma_start3A_77 : memref<1x128xi32, #tpu.memory_space<vmem>> -> memref<128xi32, #tpu.memory_space<vmem>>
        %dma_start3A_79 = arith.constant 0 : i32
        %dma_start3A_80 = arith.constant 0 : i32
        %dma_start3A_81 = tpu.memref_slice %arg2[%dma_start3A_79, %dma_start3A_80] : memref<20000x64xf32, #tpu.memory_space<hbm>> -> memref<20000x64xf32, #tpu.memory_space<hbm>>
        tpu.enqueue_indirect_dma source(%dma_start3A_81 : memref<20000x64xf32, #tpu.memory_space<hbm>>) target(%arg9 : memref<128x64xf32, #tpu.memory_space<vmem>>) offsets(%dma_start3A_78 : memref<128xi32, #tpu.memory_space<vmem>>) semaphore(%arg11 : memref<!tpu.dma_semaphore, #tpu.memory_space<semaphore_mem>>)
      } else {
      }
      %add3A_57 = arith.constant 1 : i32
      %add3A_58 = arith.addi %add3A_44, %add3A_57 : i32
      %dma_wait3A_59 = arith.constant 0 : i32
      %dma_wait3A_60 = tpu.memref_slice %arg7[%add3A_58, %dma_wait3A_59] : memref<158x128xi32, #tpu.memory_space<vmem>> -> memref<1x128xi32, #tpu.memory_space<vmem>>
      %dma_wait3A_61 = tpu.memref_squeeze %dma_wait3A_60 : memref<1x128xi32, #tpu.memory_space<vmem>> -> memref<128xi32, #tpu.memory_space<vmem>>
      %dma_wait3A_62 = arith.constant 0 : i32
      %dma_wait3A_63 = arith.constant 0 : i32
      %dma_wait3A_64 = tpu.memref_slice %arg2[%dma_wait3A_62, %dma_wait3A_63] : memref<20000x64xf32, #tpu.memory_space<hbm>> -> memref<20000x64xf32, #tpu.memory_space<hbm>>
      tpu.wait_indirect_dma semaphore(%arg12 : memref<!tpu.dma_semaphore, #tpu.memory_space<semaphore_mem>>) src(%dma_wait3A_64 : memref<20000x64xf32, #tpu.memory_space<hbm>>) dst(%arg10 : memref<128x64xf32, #tpu.memory_space<vmem>>)
      %add3A_65 = arith.constant 1 : i32
      %add3A_66 = arith.addi %add3A_44, %add3A_65 : i32
      "tpu.region"() ({
        %run_scoped3A = tpu.sem_alloc : memref<!tpu.dma_semaphore, #tpu.memory_space<semaphore_mem>>
        %dma_start3A_74 = arith.constant 0 : i32
        %dma_start3A_75 = tpu.memref_slice %arg8[%add3A_66, %dma_start3A_74] : memref<158x128xi32, #tpu.memory_space<vmem>> -> memref<1x128xi32, #tpu.memory_space<vmem>>
        %dma_start3A_76 = tpu.memref_squeeze %dma_start3A_75 : memref<1x128xi32, #tpu.memory_space<vmem>> -> memref<128xi32, #tpu.memory_space<vmem>>
        %dma_start3A_77 = arith.constant 0 : i32
        %dma_start3A_78 = arith.constant 0 : i32
        %dma_start3A_79 = tpu.memref_slice %arg6[%dma_start3A_77, %dma_start3A_78] : memref<10008x64xf32, #tpu.memory_space<vmem_shared>> -> memref<10008x64xf32, #tpu.memory_space<vmem_shared>>
        tpu.enqueue_indirect_dma source(%arg10 : memref<128x64xf32, #tpu.memory_space<vmem>>) target(%dma_start3A_79 : memref<10008x64xf32, #tpu.memory_space<vmem_shared>>) offsets(%dma_start3A_76 : memref<128xi32, #tpu.memory_space<vmem>>) semaphore(%run_scoped3A : memref<!tpu.dma_semaphore, #tpu.memory_space<semaphore_mem>>) {add = true}
        %dma_wait3A_80 = arith.constant 0 : i32
        %dma_wait3A_81 = tpu.memref_slice %arg8[%add3A_66, %dma_wait3A_80] : memref<158x128xi32, #tpu.memory_space<vmem>> -> memref<1x128xi32, #tpu.memory_space<vmem>>
        %dma_wait3A_82 = tpu.memref_squeeze %dma_wait3A_81 : memref<1x128xi32, #tpu.memory_space<vmem>> -> memref<128xi32, #tpu.memory_space<vmem>>
        %dma_wait3A_83 = arith.constant 0 : i32
        %dma_wait3A_84 = arith.constant 0 : i32
        %dma_wait3A_85 = tpu.memref_slice %arg6[%dma_wait3A_83, %dma_wait3A_84] : memref<10008x64xf32, #tpu.memory_space<vmem_shared>> -> memref<10008x64xf32, #tpu.memory_space<vmem_shared>>
        tpu.wait_indirect_dma semaphore(%run_scoped3A : memref<!tpu.dma_semaphore, #tpu.memory_space<semaphore_mem>>) src(%arg10 : memref<128x64xf32, #tpu.memory_space<vmem>>) dst(%dma_wait3A_85 : memref<10008x64xf32, #tpu.memory_space<vmem_shared>>)
        tpu.yield
      }) : () -> ()
      %add3A_67 = arith.constant 3 : i32
      %add3A_68 = arith.addi %add3A_44, %add3A_67 : i32
      %lt3A_69 = arith.constant 158 : i32
      %lt3A_70 = arith.cmpi slt, %add3A_68, %lt3A_69 : i32
      %convert_element_type3A_71 = arith.extui %lt3A_70 : i1 to i32
      %cond3A_72 = arith.constant 0 : i32
      %cond3A_73 = arith.cmpi ne, %convert_element_type3A_71, %cond3A_72 : i32
      scf.if %cond3A_73 {
        %add3A_74 = arith.constant 3 : i32
        %add3A_75 = arith.addi %add3A_44, %add3A_74 : i32
        %dma_start3A_76 = arith.constant 0 : i32
        %dma_start3A_77 = tpu.memref_slice %arg7[%add3A_75, %dma_start3A_76] : memref<158x128xi32, #tpu.memory_space<vmem>> -> memref<1x128xi32, #tpu.memory_space<vmem>>
        %dma_start3A_78 = tpu.memref_squeeze %dma_start3A_77 : memref<1x128xi32, #tpu.memory_space<vmem>> -> memref<128xi32, #tpu.memory_space<vmem>>
        %dma_start3A_79 = arith.constant 0 : i32
        %dma_start3A_80 = arith.constant 0 : i32
        %dma_start3A_81 = tpu.memref_slice %arg2[%dma_start3A_79, %dma_start3A_80] : memref<20000x64xf32, #tpu.memory_space<hbm>> -> memref<20000x64xf32, #tpu.memory_space<hbm>>
        tpu.enqueue_indirect_dma source(%dma_start3A_81 : memref<20000x64xf32, #tpu.memory_space<hbm>>) target(%arg10 : memref<128x64xf32, #tpu.memory_space<vmem>>) offsets(%dma_start3A_78 : memref<128xi32, #tpu.memory_space<vmem>>) semaphore(%arg12 : memref<!tpu.dma_semaphore, #tpu.memory_space<semaphore_mem>>)
      } else {
      }
    }
    %scan3A_28 = arith.constant 79 : i32
    %barrier3A_29 = arith.constant 0 : index
    tpu.barrier barrier_id(%barrier3A_29)
    %lt3A_30 = arith.constant 15 : i32
    %lt3A_31 = arith.cmpi slt, %arg1, %lt3A_30 : i32
    %convert_element_type3A_32 = arith.extui %lt3A_31 : i1 to i32
    %cond3A_33 = arith.constant 0 : i32
    %cond3A_34 = arith.cmpi ne, %convert_element_type3A_32, %cond3A_33 : i32
    scf.if %cond3A_34 {
      %mul3A_40 = arith.constant 632 : i32
      %mul3A_41 = arith.muli %arg1, %mul3A_40 : i32
      "tpu.region"() ({
        %run_scoped3A = tpu.sem_alloc : memref<!tpu.dma_semaphore, #tpu.memory_space<semaphore_mem>>
        %dma_start3A_42 = arith.constant 0 : i32
        %dma_start3A_43 = tpu.memref_slice %arg5[%add3A_5, %dma_start3A_42] : memref<20000x64xf32, #tpu.memory_space<hbm>> -> memref<632x64xf32, #tpu.memory_space<hbm>>
        %dma_start3A_44 = arith.constant 0 : i32
        %dma_start3A_45 = tpu.memref_slice %arg6[%mul3A_41, %dma_start3A_44] : memref<10008x64xf32, #tpu.memory_space<vmem_shared>> -> memref<632x64xf32, #tpu.memory_space<vmem_shared>>
        tpu.enqueue_dma source(%dma_start3A_45 : memref<632x64xf32, #tpu.memory_space<vmem_shared>>) target(%dma_start3A_43 : memref<632x64xf32, #tpu.memory_space<hbm>>) target_semaphore(%run_scoped3A : memref<!tpu.dma_semaphore, #tpu.memory_space<semaphore_mem>>)
        %dma_wait3A = arith.constant 0 : i32
        %dma_wait3A_46 = tpu.memref_slice %arg5[%add3A_5, %dma_wait3A] : memref<20000x64xf32, #tpu.memory_space<hbm>> -> memref<632x64xf32, #tpu.memory_space<hbm>>
        %dma_wait3A_47 = arith.constant 0 : i32
        %dma_wait3A_48 = tpu.memref_slice %arg6[%mul3A_41, %dma_wait3A_47] : memref<10008x64xf32, #tpu.memory_space<vmem_shared>> -> memref<632x64xf32, #tpu.memory_space<vmem_shared>>
        tpu.wait_dma2 semaphore(%run_scoped3A : memref<!tpu.dma_semaphore, #tpu.memory_space<semaphore_mem>>) src(%dma_wait3A_48 : memref<632x64xf32, #tpu.memory_space<vmem_shared>>) dst(%dma_wait3A_46 : memref<632x64xf32, #tpu.memory_space<hbm>>)
        tpu.yield
      }) : () -> ()
    } else {
    }
    %eq3A_35 = arith.constant 15 : i32
    %eq3A_36 = arith.cmpi eq, %arg1, %eq3A_35 : i32
    %convert_element_type3A_37 = arith.extui %eq3A_36 : i1 to i32
    %cond3A_38 = arith.constant 0 : i32
    %cond3A_39 = arith.cmpi ne, %convert_element_type3A_37, %cond3A_38 : i32
    scf.if %cond3A_39 {
      %mul3A_40 = arith.constant 632 : i32
      %mul3A_41 = arith.muli %arg1, %mul3A_40 : i32
      "tpu.region"() ({
        %run_scoped3A = tpu.sem_alloc : memref<!tpu.dma_semaphore, #tpu.memory_space<semaphore_mem>>
        %dma_start3A_42 = arith.constant 0 : i32
        %dma_start3A_43 = tpu.memref_slice %arg5[%add3A_5, %dma_start3A_42] : memref<20000x64xf32, #tpu.memory_space<hbm>> -> memref<520x64xf32, #tpu.memory_space<hbm>>
        %dma_start3A_44 = arith.constant 0 : i32
        %dma_start3A_45 = tpu.memref_slice %arg6[%mul3A_41, %dma_start3A_44] : memref<10008x64xf32, #tpu.memory_space<vmem_shared>> -> memref<520x64xf32, #tpu.memory_space<vmem_shared>>
        tpu.enqueue_dma source(%dma_start3A_45 : memref<520x64xf32, #tpu.memory_space<vmem_shared>>) target(%dma_start3A_43 : memref<520x64xf32, #tpu.memory_space<hbm>>) target_semaphore(%run_scoped3A : memref<!tpu.dma_semaphore, #tpu.memory_space<semaphore_mem>>)
        %dma_wait3A = arith.constant 0 : i32
        %dma_wait3A_46 = tpu.memref_slice %arg5[%add3A_5, %dma_wait3A] : memref<20000x64xf32, #tpu.memory_space<hbm>> -> memref<520x64xf32, #tpu.memory_space<hbm>>
        %dma_wait3A_47 = arith.constant 0 : i32
        %dma_wait3A_48 = tpu.memref_slice %arg6[%mul3A_41, %dma_wait3A_47] : memref<10008x64xf32, #tpu.memory_space<vmem_shared>> -> memref<520x64xf32, #tpu.memory_space<vmem_shared>>
        tpu.wait_dma2 semaphore(%run_scoped3A : memref<!tpu.dma_semaphore, #tpu.memory_space<semaphore_mem>>) src(%dma_wait3A_48 : memref<520x64xf32, #tpu.memory_space<vmem_shared>>) dst(%dma_wait3A_46 : memref<520x64xf32, #tpu.memory_space<hbm>>)
        tpu.yield
      }) : () -> ()
    } else {
    }
    return
  }
}

module attributes {stable_mosaic.version = 14 : i64} {
  func.func @_mlp1_body(%arg0: i32, %arg1: memref<2000x128xf32, #tpu.memory_space<vmem>>, %arg2: memref<128x64xf32, #tpu.memory_space<vmem>>, %arg3: memref<1x64xf32, #tpu.memory_space<vmem>>, %arg4: memref<64x64xf32, #tpu.memory_space<vmem>>, %arg5: memref<1x64xf32, #tpu.memory_space<vmem>>, %arg6: memref<2000x64xf32, #tpu.memory_space<vmem>>) attributes {dimension_semantics = [#tpu.dimension_semantics<arbitrary>], iteration_bounds = array<i64: 10>, scalar_prefetch = 0 : i64, scratch_operands = 0 : i64, tpu.core_type = #tpu.core_type<tc>, window_params = [{transform_indices = @transform_0, window_bounds = array<i64: 2000, 128>}, {pipeline_mode = #tpu.pipeline_mode<synchronous>, transform_indices = @transform_1, window_bounds = array<i64: 128, 64>}, {pipeline_mode = #tpu.pipeline_mode<synchronous>, transform_indices = @transform_2, window_bounds = array<i64: 1, 64>}, {pipeline_mode = #tpu.pipeline_mode<synchronous>, transform_indices = @transform_3, window_bounds = array<i64: 64, 64>}, {pipeline_mode = #tpu.pipeline_mode<synchronous>, transform_indices = @transform_4, window_bounds = array<i64: 1, 64>}, {transform_indices = @transform_5, window_bounds = array<i64: 2000, 64>}]} {
    %get3A = arith.constant 0 : index
    %get3A_0 = arith.constant 0 : index
    %get3A_1 = vector.load %arg1[%get3A, %get3A_0] : memref<2000x128xf32, #tpu.memory_space<vmem>>, vector<2000x128xf32>
    %get3A_2 = arith.constant 0 : index
    %get3A_3 = arith.constant 0 : index
    %get3A_4 = vector.load %arg2[%get3A_2, %get3A_3] : memref<128x64xf32, #tpu.memory_space<vmem>>, vector<128x64xf32>
    %convert_element_type3A = arith.truncf %get3A_1 : vector<2000x128xf32> to vector<2000x128xbf16>
    %convert_element_type3A_5 = arith.truncf %get3A_4 : vector<128x64xf32> to vector<128x64xbf16>
    %dot_general3A = arith.constant dense<0.000000e+00> : vector<2000x64xf32>
    %dot_general3A_6 = tpu.matmul %convert_element_type3A, %convert_element_type3A_5, %dot_general3A {dimension_numbers = #tpu.dot_dimension_numbers<[1], [0], [0], [1], [0, 0, 1, 1], [], []>, transpose_lhs_hint = false} : vector<2000x128xbf16>, vector<128x64xbf16>, vector<2000x64xf32> -> vector<2000x64xf32>
    %get3A_7 = arith.constant 0 : index
    %get3A_8 = arith.constant 0 : index
    %get3A_9 = vector.load %arg3[%get3A_7, %get3A_8] : memref<1x64xf32, #tpu.memory_space<vmem>>, vector<1x64xf32>
    %add3A = vector.broadcast %get3A_9 : vector<1x64xf32> to vector<2000x64xf32>
    %add3A_10 = arith.addf %dot_general3A_6, %add3A : vector<2000x64xf32>
    %max3A = arith.constant 0.000000e+00 : f32
    %max3A_11 = vector.broadcast %max3A : f32 to vector<2000x64xf32>
    %max3A_12 = arith.maximumf %add3A_10, %max3A_11 : vector<2000x64xf32>
    %get3A_13 = arith.constant 0 : index
    %get3A_14 = arith.constant 0 : index
    %get3A_15 = vector.load %arg4[%get3A_13, %get3A_14] : memref<64x64xf32, #tpu.memory_space<vmem>>, vector<64x64xf32>
    %convert_element_type3A_16 = arith.truncf %max3A_12 : vector<2000x64xf32> to vector<2000x64xbf16>
    %convert_element_type3A_17 = arith.truncf %get3A_15 : vector<64x64xf32> to vector<64x64xbf16>
    %dot_general3A_18 = arith.constant dense<0.000000e+00> : vector<2000x64xf32>
    %dot_general3A_19 = tpu.matmul %convert_element_type3A_16, %convert_element_type3A_17, %dot_general3A_18 {dimension_numbers = #tpu.dot_dimension_numbers<[1], [0], [0], [1], [0, 0, 1, 1], [], []>, transpose_lhs_hint = false} : vector<2000x64xbf16>, vector<64x64xbf16>, vector<2000x64xf32> -> vector<2000x64xf32>
    %get3A_20 = arith.constant 0 : index
    %get3A_21 = arith.constant 0 : index
    %get3A_22 = vector.load %arg5[%get3A_20, %get3A_21] : memref<1x64xf32, #tpu.memory_space<vmem>>, vector<1x64xf32>
    %add3A_23 = vector.broadcast %get3A_22 : vector<1x64xf32> to vector<2000x64xf32>
    %add3A_24 = arith.addf %dot_general3A_19, %add3A_23 : vector<2000x64xf32>
    %max3A_25 = arith.constant 0.000000e+00 : f32
    %max3A_26 = vector.broadcast %max3A_25 : f32 to vector<2000x64xf32>
    %max3A_27 = arith.maximumf %add3A_24, %max3A_26 : vector<2000x64xf32>
    %swap3A = arith.constant 0 : index
    %swap3A_28 = arith.constant 0 : index
    %swap3A_29 = vector.load %arg6[%swap3A, %swap3A_28] : memref<2000x64xf32, #tpu.memory_space<vmem>>, vector<2000x64xf32>
    tpu.vector_store %arg6[%swap3A, %swap3A_28], %max3A_27 {strides = array<i32>} : memref<2000x64xf32, #tpu.memory_space<vmem>>, vector<2000x64xf32>,
    return
  }
  func.func @transform_0(%arg0: i32) -> (i32, i32) {
    %c0_i32 = arith.constant 0 : i32
    %c0_i32_0 = arith.constant 0 : i32
    return %arg0, %c0_i32 : i32, i32
  }
  func.func @transform_1(%arg0: i32) -> (i32, i32) {
    %c0_i32 = arith.constant 0 : i32
    %c0_i32_0 = arith.constant 0 : i32
    %c0_i32_1 = arith.constant 0 : i32
    return %c0_i32, %c0_i32_0 : i32, i32
  }
  func.func @transform_2(%arg0: i32) -> (i32, i32) {
    %c0_i32 = arith.constant 0 : i32
    %c0_i32_0 = arith.constant 0 : i32
    %c0_i32_1 = arith.constant 0 : i32
    return %c0_i32, %c0_i32_0 : i32, i32
  }
  func.func @transform_3(%arg0: i32) -> (i32, i32) {
    %c0_i32 = arith.constant 0 : i32
    %c0_i32_0 = arith.constant 0 : i32
    %c0_i32_1 = arith.constant 0 : i32
    return %c0_i32, %c0_i32_0 : i32, i32
  }
  func.func @transform_4(%arg0: i32) -> (i32, i32) {
    %c0_i32 = arith.constant 0 : i32
    %c0_i32_0 = arith.constant 0 : i32
    %c0_i32_1 = arith.constant 0 : i32
    return %c0_i32, %c0_i32_0 : i32, i32
  }
  func.func @transform_5(%arg0: i32) -> (i32, i32) {
    %c0_i32 = arith.constant 0 : i32
    %c0_i32_0 = arith.constant 0 : i32
    return %arg0, %c0_i32 : i32, i32
  }
}

module attributes {stable_mosaic.version = 14 : i64} {
  func.func @_tail_body(%arg0: i32, %arg1: memref<2000x64xf32, #tpu.memory_space<vmem>>, %arg2: memref<64x64xf32, #tpu.memory_space<vmem>>, %arg3: memref<1x64xf32, #tpu.memory_space<vmem>>, %arg4: memref<64x64xf32, #tpu.memory_space<vmem>>, %arg5: memref<1x64xf32, #tpu.memory_space<vmem>>, %arg6: memref<1x1x2000xi32, #tpu.memory_space<vmem>>, %arg7: memref<512x64xf32, #tpu.memory_space<vmem>>, %arg8: memref<8x8xf32, #tpu.memory_space<vmem>>, %arg9: memref<1x8xf32, #tpu.memory_space<vmem>>, %arg10: memref<8x8xf32, #tpu.memory_space<vmem>>, %arg11: memref<1x8xf32, #tpu.memory_space<vmem>>, %arg12: memref<64x64xf32, #tpu.memory_space<vmem>>, %arg13: memref<64x64xf32, #tpu.memory_space<vmem>>, %arg14: memref<8x64xf32, #tpu.memory_space<vmem>>, %arg15: memref<1x64xf32, #tpu.memory_space<vmem>>, %arg16: memref<64x32xf32, #tpu.memory_space<vmem>>, %arg17: memref<1x32xf32, #tpu.memory_space<vmem>>, %arg18: memref<32x1xf32, #tpu.memory_space<vmem>>, %arg19: memref<1x1xf32, #tpu.memory_space<vmem>>, %arg20: memref<1x8xf32, #tpu.memory_space<vmem>>, %arg21: memref<16x64xf32, #tpu.memory_space<vmem>>, %arg22: memref<16x1xf32, #tpu.memory_space<vmem>>) attributes {dimension_semantics = [#tpu.dimension_semantics<arbitrary>], iteration_bounds = array<i64: 10>, scalar_prefetch = 0 : i64, scratch_operands = 2 : i64, tpu.core_type = #tpu.core_type<tc>, window_params = [{transform_indices = @transform_0, window_bounds = array<i64: 2000, 64>}, {pipeline_mode = #tpu.pipeline_mode<synchronous>, transform_indices = @transform_1, window_bounds = array<i64: 64, 64>}, {pipeline_mode = #tpu.pipeline_mode<synchronous>, transform_indices = @transform_2, window_bounds = array<i64: 1, 64>}, {pipeline_mode = #tpu.pipeline_mode<synchronous>, transform_indices = @transform_3, window_bounds = array<i64: 64, 64>}, {pipeline_mode = #tpu.pipeline_mode<synchronous>, transform_indices = @transform_4, window_bounds = array<i64: 1, 64>}, {transform_indices = @transform_5, window_bounds = array<i64: 1, 1, 2000>}, {pipeline_mode = #tpu.pipeline_mode<synchronous>, transform_indices = @transform_6, window_bounds = array<i64: 512, 64>}, {pipeline_mode = #tpu.pipeline_mode<synchronous>, transform_indices = @transform_7, window_bounds = array<i64: 8, 8>}, {pipeline_mode = #tpu.pipeline_mode<synchronous>, transform_indices = @transform_8, window_bounds = array<i64: 1, 8>}, {pipeline_mode = #tpu.pipeline_mode<synchronous>, transform_indices = @transform_9, window_bounds = array<i64: 8, 8>}, {pipeline_mode = #tpu.pipeline_mode<synchronous>, transform_indices = @transform_10, window_bounds = array<i64: 1, 8>}, {pipeline_mode = #tpu.pipeline_mode<synchronous>, transform_indices = @transform_11, window_bounds = array<i64: 64, 64>}, {pipeline_mode = #tpu.pipeline_mode<synchronous>, transform_indices = @transform_12, window_bounds = array<i64: 64, 64>}, {pipeline_mode = #tpu.pipeline_mode<synchronous>, transform_indices = @transform_13, window_bounds = array<i64: 8, 64>}, {pipeline_mode = #tpu.pipeline_mode<synchronous>, transform_indices = @transform_14, window_bounds = array<i64: 1, 64>}, {pipeline_mode = #tpu.pipeline_mode<synchronous>, transform_indices = @transform_15, window_bounds = array<i64: 64, 32>}, {pipeline_mode = #tpu.pipeline_mode<synchronous>, transform_indices = @transform_16, window_bounds = array<i64: 1, 32>}, {pipeline_mode = #tpu.pipeline_mode<synchronous>, transform_indices = @transform_17, window_bounds = array<i64: 32, 1>}, {pipeline_mode = #tpu.pipeline_mode<synchronous>, transform_indices = @transform_18, window_bounds = array<i64: 1, 1>}, {pipeline_mode = #tpu.pipeline_mode<synchronous>, transform_indices = @transform_19, window_bounds = array<i64: 1, 8>}]} {
    %jit3A = arith.constant 5 : i32
    %div3A = arith.divsi %arg0, %jit3A : i32
    %sign3A = arith.constant 0 : i32
    %sign3A_0 = arith.cmpi sgt, %arg0, %sign3A : i32
    %sign3A_1 = arith.extui %sign3A_0 : i1 to i32
    %sign3A_2 = arith.constant 0 : i32
    %sign3A_3 = arith.cmpi slt, %arg0, %sign3A_2 : i32
    %sign3A_4 = arith.extui %sign3A_3 : i1 to i32
    %sign3A_5 = arith.subi %sign3A_1, %sign3A_4 : i32
    %sign3A_6 = arith.constant 0 : i32
    %sign3A_7 = arith.cmpi sgt, %jit3A, %sign3A_6 : i32
    %sign3A_8 = arith.extui %sign3A_7 : i1 to i32
    %sign3A_9 = arith.constant 0 : i32
    %sign3A_10 = arith.cmpi slt, %jit3A, %sign3A_9 : i32
    %sign3A_11 = arith.extui %sign3A_10 : i1 to i32
    %sign3A_12 = arith.subi %sign3A_8, %sign3A_11 : i32
    %ne3A = arith.cmpi ne, %sign3A_5, %sign3A_12 : i32
    %rem3A = arith.remsi %arg0, %jit3A : i32
    %ne3A_13 = arith.constant 0 : i32
    %ne3A_14 = arith.cmpi ne, %rem3A, %ne3A_13 : i32
    %and3A = arith.andi %ne3A, %ne3A_14 : i1
    %sub3A = arith.constant 1 : i32
    %sub3A_15 = arith.subi %div3A, %sub3A : i32
    %select_n3A = arith.select %and3A, %sub3A_15, %div3A : i32
    %eq3A = arith.constant 0 : i32
    %eq3A_16 = arith.cmpi eq, %arg0, %eq3A : i32
    %convert_element_type3A = arith.extui %eq3A_16 : i1 to i32
    %cond3A = arith.constant 0 : i32
    %cond3A_17 = arith.cmpi ne, %convert_element_type3A, %cond3A : i32
    scf.if %cond3A_17 {
      %broadcast_in_dim3A_81 = arith.constant 0.000000e+00 : f32
      %broadcast_in_dim3A_82 = vector.broadcast %broadcast_in_dim3A_81 : f32 to vector<16x64xf32>
      %swap3A_83 = arith.constant 0 : index
      %swap3A_84 = arith.constant 0 : index
      %swap3A_85 = vector.load %arg21[%swap3A_83, %swap3A_84] : memref<16x64xf32, #tpu.memory_space<vmem>>, vector<16x64xf32>
      tpu.vector_store %arg21[%swap3A_83, %swap3A_84], %broadcast_in_dim3A_82 {strides = array<i32>} : memref<16x64xf32, #tpu.memory_space<vmem>>, vector<16x64xf32>,
      %broadcast_in_dim3A_86 = arith.constant 0.000000e+00 : f32
      %broadcast_in_dim3A_87 = vector.broadcast %broadcast_in_dim3A_86 : f32 to vector<16x1xf32>
      %swap3A_88 = arith.constant 0 : index
      %swap3A_89 = arith.constant 0 : index
      %swap3A_90 = vector.load %arg22[%swap3A_88, %swap3A_89] : memref<16x1xf32, #tpu.memory_space<vmem>>, vector<16x1xf32>
      tpu.vector_store %arg22[%swap3A_88, %swap3A_89], %broadcast_in_dim3A_87 {strides = array<i32>} : memref<16x1xf32, #tpu.memory_space<vmem>>, vector<16x1xf32>,
    } else {
    }
    %get3A = arith.constant 0 : index
    %get3A_18 = arith.constant 0 : index
    %get3A_19 = vector.load %arg1[%get3A, %get3A_18] : memref<2000x64xf32, #tpu.memory_space<vmem>>, vector<2000x64xf32>
    %get3A_20 = arith.constant 0 : index
    %get3A_21 = arith.constant 0 : index
    %get3A_22 = vector.load %arg2[%get3A_20, %get3A_21] : memref<64x64xf32, #tpu.memory_space<vmem>>, vector<64x64xf32>
    %convert_element_type3A_23 = arith.truncf %get3A_19 : vector<2000x64xf32> to vector<2000x64xbf16>
    %convert_element_type3A_24 = arith.truncf %get3A_22 : vector<64x64xf32> to vector<64x64xbf16>
    %dot_general3A = arith.constant dense<0.000000e+00> : vector<2000x64xf32>
    %dot_general3A_25 = tpu.matmul %convert_element_type3A_23, %convert_element_type3A_24, %dot_general3A {dimension_numbers = #tpu.dot_dimension_numbers<[1], [0], [0], [1], [0, 0, 1, 1], [], []>, transpose_lhs_hint = false} : vector<2000x64xbf16>, vector<64x64xbf16>, vector<2000x64xf32> -> vector<2000x64xf32>
    %get3A_26 = arith.constant 0 : index
    %get3A_27 = arith.constant 0 : index
    %get3A_28 = vector.load %arg3[%get3A_26, %get3A_27] : memref<1x64xf32, #tpu.memory_space<vmem>>, vector<1x64xf32>
    %add3A = vector.broadcast %get3A_28 : vector<1x64xf32> to vector<2000x64xf32>
    %add3A_29 = arith.addf %dot_general3A_25, %add3A : vector<2000x64xf32>
    %max3A = arith.constant 0.000000e+00 : f32
    %max3A_30 = vector.broadcast %max3A : f32 to vector<2000x64xf32>
    %max3A_31 = arith.maximumf %add3A_29, %max3A_30 : vector<2000x64xf32>
    %get3A_32 = arith.constant 0 : index
    %get3A_33 = arith.constant 0 : index
    %get3A_34 = vector.load %arg4[%get3A_32, %get3A_33] : memref<64x64xf32, #tpu.memory_space<vmem>>, vector<64x64xf32>
    %convert_element_type3A_35 = arith.truncf %max3A_31 : vector<2000x64xf32> to vector<2000x64xbf16>
    %convert_element_type3A_36 = arith.truncf %get3A_34 : vector<64x64xf32> to vector<64x64xbf16>
    %dot_general3A_37 = arith.constant dense<0.000000e+00> : vector<2000x64xf32>
    %dot_general3A_38 = tpu.matmul %convert_element_type3A_35, %convert_element_type3A_36, %dot_general3A_37 {dimension_numbers = #tpu.dot_dimension_numbers<[1], [0], [0], [1], [0, 0, 1, 1], [], []>, transpose_lhs_hint = false} : vector<2000x64xbf16>, vector<64x64xbf16>, vector<2000x64xf32> -> vector<2000x64xf32>
    %get3A_39 = arith.constant 0 : index
    %get3A_40 = arith.constant 0 : index
    %get3A_41 = vector.load %arg5[%get3A_39, %get3A_40] : memref<1x64xf32, #tpu.memory_space<vmem>>, vector<1x64xf32>
    %add3A_42 = vector.broadcast %get3A_41 : vector<1x64xf32> to vector<2000x64xf32>
    %add3A_43 = arith.addf %dot_general3A_38, %add3A_42 : vector<2000x64xf32>
    %max3A_44 = arith.constant 0.000000e+00 : f32
    %max3A_45 = vector.broadcast %max3A_44 : f32 to vector<2000x64xf32>
    %max3A_46 = arith.maximumf %add3A_43, %max3A_45 : vector<2000x64xf32>
    %get3A_47 = arith.constant 0 : index
    %get3A_48 = arith.constant 0 : index
    %get3A_49 = arith.constant 0 : index
    %get3A_50 = vector.load %arg6[%get3A_47, %get3A_48, %get3A_49] : memref<1x1x2000xi32, #tpu.memory_space<vmem>>, vector<1x1x2000xi32>
    %get3A_51 = vector.shape_cast %get3A_50 : vector<1x1x2000xi32> to vector<2000xi32>
    %iota3A = tpu.iota {dimensions = array<i32: 0>} : vector<16x2000xi32>
    %broadcast_in_dim3A = vector.shape_cast %get3A_51 : vector<2000xi32> to vector<1x2000xi32>
    %mul3A = arith.constant 8 : i32
    %mul3A_52 = arith.muli %select_n3A, %mul3A : i32
    %add3A_53 = vector.broadcast %mul3A_52 : i32 to vector<1x2000xi32>
    %add3A_54 = arith.addi %broadcast_in_dim3A, %add3A_53 : vector<1x2000xi32>
    %eq3A_55 = vector.broadcast %add3A_54 : vector<1x2000xi32> to vector<16x2000xi32>
    %eq3A_56 = arith.cmpi eq, %eq3A_55, %iota3A : vector<16x2000xi32>
    %convert_element_type3A_57 = arith.extui %eq3A_56 : vector<16x2000xi1> to vector<16x2000xi32>
    %convert_element_type3A_58 = arith.sitofp %convert_element_type3A_57 : vector<16x2000xi32> to vector<16x2000xf32>
    %get3A_59 = arith.constant 0 : index
    %get3A_60 = arith.constant 0 : index
    %get3A_61 = vector.load %arg21[%get3A_59, %get3A_60] : memref<16x64xf32, #tpu.memory_space<vmem>>, vector<16x64xf32>
    %dot_general3A_62 = arith.constant dense<0.000000e+00> : vector<16x64xf32>
    %dot_general3A_63 = tpu.matmul %convert_element_type3A_58, %max3A_46, %dot_general3A_62 {dimension_numbers = #tpu.dot_dimension_numbers<[1], [0], [0], [1], [0, 0, 1, 1], [], []>, precision = #tpu.contract_precision<fp32>, transpose_lhs_hint = false} : vector<16x2000xf32>, vector<2000x64xf32>, vector<16x64xf32> -> vector<16x64xf32>
    %add3A_64 = arith.addf %get3A_61, %dot_general3A_63 : vector<16x64xf32>
    %swap3A = arith.constant 0 : index
    %swap3A_65 = arith.constant 0 : index
    %swap3A_66 = vector.load %arg21[%swap3A, %swap3A_65] : memref<16x64xf32, #tpu.memory_space<vmem>>, vector<16x64xf32>
    tpu.vector_store %arg21[%swap3A, %swap3A_65], %add3A_64 {strides = array<i32>} : memref<16x64xf32, #tpu.memory_space<vmem>>, vector<16x64xf32>,
    %get3A_67 = arith.constant 0 : index
    %get3A_68 = arith.constant 0 : index
    %get3A_69 = vector.load %arg22[%get3A_67, %get3A_68] : memref<16x1xf32, #tpu.memory_space<vmem>>, vector<16x1xf32>
    %reduce_sum3A = arith.constant dense<0.000000e+00> : vector<16xf32>
    %reduce_sum3A_70 = vector.multi_reduction <add>, %convert_element_type3A_58, %reduce_sum3A [1] : vector<16x2000xf32> to vector<16xf32>
    %broadcast_in_dim3A_71 = vector.shape_cast %reduce_sum3A_70 : vector<16xf32> to vector<16x1xf32>
    %add3A_72 = arith.addf %get3A_69, %broadcast_in_dim3A_71 : vector<16x1xf32>
    %swap3A_73 = arith.constant 0 : index
    %swap3A_74 = arith.constant 0 : index
    %swap3A_75 = vector.load %arg22[%swap3A_73, %swap3A_74] : memref<16x1xf32, #tpu.memory_space<vmem>>, vector<16x1xf32>
    tpu.vector_store %arg22[%swap3A_73, %swap3A_74], %add3A_72 {strides = array<i32>} : memref<16x1xf32, #tpu.memory_space<vmem>>, vector<16x1xf32>,
    %eq3A_76 = arith.constant 9 : i32
    %eq3A_77 = arith.cmpi eq, %arg0, %eq3A_76 : i32
    %convert_element_type3A_78 = arith.extui %eq3A_77 : i1 to i32
    %cond3A_79 = arith.constant 0 : i32
    %cond3A_80 = arith.cmpi ne, %convert_element_type3A_78, %cond3A_79 : i32
    scf.if %cond3A_80 {
      %get3A_81 = arith.constant 0 : index
      %get3A_82 = arith.constant 0 : index
      %get3A_83 = vector.load %arg21[%get3A_81, %get3A_82] : memref<16x64xf32, #tpu.memory_space<vmem>>, vector<16x64xf32>
      %get3A_84 = arith.constant 0 : index
      %get3A_85 = arith.constant 0 : index
      %get3A_86 = vector.load %arg22[%get3A_84, %get3A_85] : memref<16x1xf32, #tpu.memory_space<vmem>>, vector<16x1xf32>
      %max3A_87 = arith.constant 1.000000e+00 : f32
      %max3A_88 = vector.broadcast %max3A_87 : f32 to vector<16x1xf32>
      %max3A_89 = arith.maximumf %get3A_86, %max3A_88 : vector<16x1xf32>
      %div3A_90 = vector.broadcast %max3A_89 : vector<16x1xf32> to vector<16x64xf32>
      %div3A_91 = arith.divf %get3A_83, %div3A_90 : vector<16x64xf32>
      %slice3A = vector.extract_strided_slice %div3A_91 {offsets = [0, 0], sizes = [8, 64], strides = [1, 1]} : vector<16x64xf32> to vector<8x64xf32>
      %slice3A_92 = vector.extract_strided_slice %div3A_91 {offsets = [8, 0], sizes = [8, 64], strides = [1, 1]} : vector<16x64xf32> to vector<8x64xf32>
      %convert_element_type3A_93 = arith.truncf %slice3A_92 : vector<8x64xf32> to vector<8x64xbf16>
      %convert_element_type3A_94 = arith.extf %convert_element_type3A_93 : vector<8x64xbf16> to vector<8x64xf32>
      %broadcast_in_dim3A_95 = arith.constant 0.000000e+00 : f32
      %broadcast_in_dim3A_96 = vector.broadcast %broadcast_in_dim3A_95 : f32 to vector<8x8xf32>
      %iota3A_97 = tpu.iota {dimensions = array<i32: 1>} : vector<1x8xi32>
      %get3A_98 = arith.constant 0 : index
      %get3A_99 = arith.constant 0 : index
      %get3A_100 = vector.load %arg7[%get3A_98, %get3A_99] : memref<512x64xf32, #tpu.memory_space<vmem>>, vector<64x64xf32>
      %convert_element_type3A_101 = arith.truncf %slice3A : vector<8x64xf32> to vector<8x64xbf16>
      %convert_element_type3A_102 = arith.truncf %get3A_100 : vector<64x64xf32> to vector<64x64xbf16>
      %dot_general3A_103 = arith.constant dense<0.000000e+00> : vector<8x64xf32>
      %dot_general3A_104 = tpu.matmul %convert_element_type3A_101, %convert_element_type3A_102, %dot_general3A_103 {dimension_numbers = #tpu.dot_dimension_numbers<[1], [0], [0], [1], [0, 0, 1, 1], [], []>, transpose_lhs_hint = false} : vector<8x64xbf16>, vector<64x64xbf16>, vector<8x64xf32> -> vector<8x64xf32>
      %convert_element_type3A_105 = arith.truncf %dot_general3A_104 : vector<8x64xf32> to vector<8x64xbf16>
      %convert_element_type3A_106 = arith.extf %convert_element_type3A_105 : vector<8x64xbf16> to vector<8x64xf32>
      %mul3A_107 = arith.mulf %convert_element_type3A_106, %convert_element_type3A_94 : vector<8x64xf32>
      %reduce_sum3A_108 = arith.constant dense<0.000000e+00> : vector<8xf32>
      %reduce_sum3A_109 = vector.multi_reduction <add>, %mul3A_107, %reduce_sum3A_108 [1] : vector<8x64xf32> to vector<8xf32>
      %broadcast_in_dim3A_110 = vector.shape_cast %reduce_sum3A_109 : vector<8xf32> to vector<8x1xf32>
      %eq3A_111 = arith.constant 0 : i32
      %eq3A_112 = vector.broadcast %eq3A_111 : i32 to vector<1x8xi32>
      %eq3A_113 = arith.cmpi eq, %iota3A_97, %eq3A_112 : vector<1x8xi32>
      %convert_element_type3A_114 = arith.extui %eq3A_113 : vector<1x8xi1> to vector<1x8xi32>
      %convert_element_type3A_115 = arith.sitofp %convert_element_type3A_114 : vector<1x8xi32> to vector<1x8xf32>
      %mul3A_116 = vector.broadcast %broadcast_in_dim3A_110 : vector<8x1xf32> to vector<8x8xf32>
      %mul3A_117 = vector.broadcast %convert_element_type3A_115 : vector<1x8xf32> to vector<8x8xf32>
      %mul3A_118 = arith.mulf %mul3A_116, %mul3A_117 : vector<8x8xf32>
      %add3A_119 = arith.addf %broadcast_in_dim3A_96, %mul3A_118 : vector<8x8xf32>
      %get3A_120 = arith.constant 64 : index
      %get3A_121 = arith.constant 0 : index
      %get3A_122 = vector.load %arg7[%get3A_120, %get3A_121] : memref<512x64xf32, #tpu.memory_space<vmem>>, vector<64x64xf32>
      %convert_element_type3A_123 = arith.truncf %slice3A : vector<8x64xf32> to vector<8x64xbf16>
      %convert_element_type3A_124 = arith.truncf %get3A_122 : vector<64x64xf32> to vector<64x64xbf16>
      %dot_general3A_125 = arith.constant dense<0.000000e+00> : vector<8x64xf32>
      %dot_general3A_126 = tpu.matmul %convert_element_type3A_123, %convert_element_type3A_124, %dot_general3A_125 {dimension_numbers = #tpu.dot_dimension_numbers<[1], [0], [0], [1], [0, 0, 1, 1], [], []>, transpose_lhs_hint = false} : vector<8x64xbf16>, vector<64x64xbf16>, vector<8x64xf32> -> vector<8x64xf32>
      %convert_element_type3A_127 = arith.truncf %dot_general3A_126 : vector<8x64xf32> to vector<8x64xbf16>
      %convert_element_type3A_128 = arith.extf %convert_element_type3A_127 : vector<8x64xbf16> to vector<8x64xf32>
      %mul3A_129 = arith.mulf %convert_element_type3A_128, %convert_element_type3A_94 : vector<8x64xf32>
      %reduce_sum3A_130 = arith.constant dense<0.000000e+00> : vector<8xf32>
      %reduce_sum3A_131 = vector.multi_reduction <add>, %mul3A_129, %reduce_sum3A_130 [1] : vector<8x64xf32> to vector<8xf32>
      %broadcast_in_dim3A_132 = vector.shape_cast %reduce_sum3A_131 : vector<8xf32> to vector<8x1xf32>
      %eq3A_133 = arith.constant 1 : i32
      %eq3A_134 = vector.broadcast %eq3A_133 : i32 to vector<1x8xi32>
      %eq3A_135 = arith.cmpi eq, %iota3A_97, %eq3A_134 : vector<1x8xi32>
      %convert_element_type3A_136 = arith.extui %eq3A_135 : vector<1x8xi1> to vector<1x8xi32>
      %convert_element_type3A_137 = arith.sitofp %convert_element_type3A_136 : vector<1x8xi32> to vector<1x8xf32>
      %mul3A_138 = vector.broadcast %broadcast_in_dim3A_132 : vector<8x1xf32> to vector<8x8xf32>
      %mul3A_139 = vector.broadcast %convert_element_type3A_137 : vector<1x8xf32> to vector<8x8xf32>
      %mul3A_140 = arith.mulf %mul3A_138, %mul3A_139 : vector<8x8xf32>
      %add3A_141 = arith.addf %add3A_119, %mul3A_140 : vector<8x8xf32>
      %get3A_142 = arith.constant 128 : index
      %get3A_143 = arith.constant 0 : index
      %get3A_144 = vector.load %arg7[%get3A_142, %get3A_143] : memref<512x64xf32, #tpu.memory_space<vmem>>, vector<64x64xf32>
      %convert_element_type3A_145 = arith.truncf %slice3A : vector<8x64xf32> to vector<8x64xbf16>
      %convert_element_type3A_146 = arith.truncf %get3A_144 : vector<64x64xf32> to vector<64x64xbf16>
      %dot_general3A_147 = arith.constant dense<0.000000e+00> : vector<8x64xf32>
      %dot_general3A_148 = tpu.matmul %convert_element_type3A_145, %convert_element_type3A_146, %dot_general3A_147 {dimension_numbers = #tpu.dot_dimension_numbers<[1], [0], [0], [1], [0, 0, 1, 1], [], []>, transpose_lhs_hint = false} : vector<8x64xbf16>, vector<64x64xbf16>, vector<8x64xf32> -> vector<8x64xf32>
      %convert_element_type3A_149 = arith.truncf %dot_general3A_148 : vector<8x64xf32> to vector<8x64xbf16>
      %convert_element_type3A_150 = arith.extf %convert_element_type3A_149 : vector<8x64xbf16> to vector<8x64xf32>
      %mul3A_151 = arith.mulf %convert_element_type3A_150, %convert_element_type3A_94 : vector<8x64xf32>
      %reduce_sum3A_152 = arith.constant dense<0.000000e+00> : vector<8xf32>
      %reduce_sum3A_153 = vector.multi_reduction <add>, %mul3A_151, %reduce_sum3A_152 [1] : vector<8x64xf32> to vector<8xf32>
      %broadcast_in_dim3A_154 = vector.shape_cast %reduce_sum3A_153 : vector<8xf32> to vector<8x1xf32>
      %eq3A_155 = arith.constant 2 : i32
      %eq3A_156 = vector.broadcast %eq3A_155 : i32 to vector<1x8xi32>
      %eq3A_157 = arith.cmpi eq, %iota3A_97, %eq3A_156 : vector<1x8xi32>
      %convert_element_type3A_158 = arith.extui %eq3A_157 : vector<1x8xi1> to vector<1x8xi32>
      %convert_element_type3A_159 = arith.sitofp %convert_element_type3A_158 : vector<1x8xi32> to vector<1x8xf32>
      %mul3A_160 = vector.broadcast %broadcast_in_dim3A_154 : vector<8x1xf32> to vector<8x8xf32>
      %mul3A_161 = vector.broadcast %convert_element_type3A_159 : vector<1x8xf32> to vector<8x8xf32>
      %mul3A_162 = arith.mulf %mul3A_160, %mul3A_161 : vector<8x8xf32>
      %add3A_163 = arith.addf %add3A_141, %mul3A_162 : vector<8x8xf32>
      %get3A_164 = arith.constant 192 : index
      %get3A_165 = arith.constant 0 : index
      %get3A_166 = vector.load %arg7[%get3A_164, %get3A_165] : memref<512x64xf32, #tpu.memory_space<vmem>>, vector<64x64xf32>
      %convert_element_type3A_167 = arith.truncf %slice3A : vector<8x64xf32> to vector<8x64xbf16>
      %convert_element_type3A_168 = arith.truncf %get3A_166 : vector<64x64xf32> to vector<64x64xbf16>
      %dot_general3A_169 = arith.constant dense<0.000000e+00> : vector<8x64xf32>
      %dot_general3A_170 = tpu.matmul %convert_element_type3A_167, %convert_element_type3A_168, %dot_general3A_169 {dimension_numbers = #tpu.dot_dimension_numbers<[1], [0], [0], [1], [0, 0, 1, 1], [], []>, transpose_lhs_hint = false} : vector<8x64xbf16>, vector<64x64xbf16>, vector<8x64xf32> -> vector<8x64xf32>
      %convert_element_type3A_171 = arith.truncf %dot_general3A_170 : vector<8x64xf32> to vector<8x64xbf16>
      %convert_element_type3A_172 = arith.extf %convert_element_type3A_171 : vector<8x64xbf16> to vector<8x64xf32>
      %mul3A_173 = arith.mulf %convert_element_type3A_172, %convert_element_type3A_94 : vector<8x64xf32>
      %reduce_sum3A_174 = arith.constant dense<0.000000e+00> : vector<8xf32>
      %reduce_sum3A_175 = vector.multi_reduction <add>, %mul3A_173, %reduce_sum3A_174 [1] : vector<8x64xf32> to vector<8xf32>
      %broadcast_in_dim3A_176 = vector.shape_cast %reduce_sum3A_175 : vector<8xf32> to vector<8x1xf32>
      %eq3A_177 = arith.constant 3 : i32
      %eq3A_178 = vector.broadcast %eq3A_177 : i32 to vector<1x8xi32>
      %eq3A_179 = arith.cmpi eq, %iota3A_97, %eq3A_178 : vector<1x8xi32>
      %convert_element_type3A_180 = arith.extui %eq3A_179 : vector<1x8xi1> to vector<1x8xi32>
      %convert_element_type3A_181 = arith.sitofp %convert_element_type3A_180 : vector<1x8xi32> to vector<1x8xf32>
      %mul3A_182 = vector.broadcast %broadcast_in_dim3A_176 : vector<8x1xf32> to vector<8x8xf32>
      %mul3A_183 = vector.broadcast %convert_element_type3A_181 : vector<1x8xf32> to vector<8x8xf32>
      %mul3A_184 = arith.mulf %mul3A_182, %mul3A_183 : vector<8x8xf32>
      %add3A_185 = arith.addf %add3A_163, %mul3A_184 : vector<8x8xf32>
      %get3A_186 = arith.constant 256 : index
      %get3A_187 = arith.constant 0 : index
      %get3A_188 = vector.load %arg7[%get3A_186, %get3A_187] : memref<512x64xf32, #tpu.memory_space<vmem>>, vector<64x64xf32>
      %convert_element_type3A_189 = arith.truncf %slice3A : vector<8x64xf32> to vector<8x64xbf16>
      %convert_element_type3A_190 = arith.truncf %get3A_188 : vector<64x64xf32> to vector<64x64xbf16>
      %dot_general3A_191 = arith.constant dense<0.000000e+00> : vector<8x64xf32>
      %dot_general3A_192 = tpu.matmul %convert_element_type3A_189, %convert_element_type3A_190, %dot_general3A_191 {dimension_numbers = #tpu.dot_dimension_numbers<[1], [0], [0], [1], [0, 0, 1, 1], [], []>, transpose_lhs_hint = false} : vector<8x64xbf16>, vector<64x64xbf16>, vector<8x64xf32> -> vector<8x64xf32>
      %convert_element_type3A_193 = arith.truncf %dot_general3A_192 : vector<8x64xf32> to vector<8x64xbf16>
      %convert_element_type3A_194 = arith.extf %convert_element_type3A_193 : vector<8x64xbf16> to vector<8x64xf32>
      %mul3A_195 = arith.mulf %convert_element_type3A_194, %convert_element_type3A_94 : vector<8x64xf32>
      %reduce_sum3A_196 = arith.constant dense<0.000000e+00> : vector<8xf32>
      %reduce_sum3A_197 = vector.multi_reduction <add>, %mul3A_195, %reduce_sum3A_196 [1] : vector<8x64xf32> to vector<8xf32>
      %broadcast_in_dim3A_198 = vector.shape_cast %reduce_sum3A_197 : vector<8xf32> to vector<8x1xf32>
      %eq3A_199 = arith.constant 4 : i32
      %eq3A_200 = vector.broadcast %eq3A_199 : i32 to vector<1x8xi32>
      %eq3A_201 = arith.cmpi eq, %iota3A_97, %eq3A_200 : vector<1x8xi32>
      %convert_element_type3A_202 = arith.extui %eq3A_201 : vector<1x8xi1> to vector<1x8xi32>
      %convert_element_type3A_203 = arith.sitofp %convert_element_type3A_202 : vector<1x8xi32> to vector<1x8xf32>
      %mul3A_204 = vector.broadcast %broadcast_in_dim3A_198 : vector<8x1xf32> to vector<8x8xf32>
      %mul3A_205 = vector.broadcast %convert_element_type3A_203 : vector<1x8xf32> to vector<8x8xf32>
      %mul3A_206 = arith.mulf %mul3A_204, %mul3A_205 : vector<8x8xf32>
      %add3A_207 = arith.addf %add3A_185, %mul3A_206 : vector<8x8xf32>
      %get3A_208 = arith.constant 320 : index
      %get3A_209 = arith.constant 0 : index
      %get3A_210 = vector.load %arg7[%get3A_208, %get3A_209] : memref<512x64xf32, #tpu.memory_space<vmem>>, vector<64x64xf32>
      %convert_element_type3A_211 = arith.truncf %slice3A : vector<8x64xf32> to vector<8x64xbf16>
      %convert_element_type3A_212 = arith.truncf %get3A_210 : vector<64x64xf32> to vector<64x64xbf16>
      %dot_general3A_213 = arith.constant dense<0.000000e+00> : vector<8x64xf32>
      %dot_general3A_214 = tpu.matmul %convert_element_type3A_211, %convert_element_type3A_212, %dot_general3A_213 {dimension_numbers = #tpu.dot_dimension_numbers<[1], [0], [0], [1], [0, 0, 1, 1], [], []>, transpose_lhs_hint = false} : vector<8x64xbf16>, vector<64x64xbf16>, vector<8x64xf32> -> vector<8x64xf32>
      %convert_element_type3A_215 = arith.truncf %dot_general3A_214 : vector<8x64xf32> to vector<8x64xbf16>
      %convert_element_type3A_216 = arith.extf %convert_element_type3A_215 : vector<8x64xbf16> to vector<8x64xf32>
      %mul3A_217 = arith.mulf %convert_element_type3A_216, %convert_element_type3A_94 : vector<8x64xf32>
      %reduce_sum3A_218 = arith.constant dense<0.000000e+00> : vector<8xf32>
      %reduce_sum3A_219 = vector.multi_reduction <add>, %mul3A_217, %reduce_sum3A_218 [1] : vector<8x64xf32> to vector<8xf32>
      %broadcast_in_dim3A_220 = vector.shape_cast %reduce_sum3A_219 : vector<8xf32> to vector<8x1xf32>
      %eq3A_221 = arith.constant 5 : i32
      %eq3A_222 = vector.broadcast %eq3A_221 : i32 to vector<1x8xi32>
      %eq3A_223 = arith.cmpi eq, %iota3A_97, %eq3A_222 : vector<1x8xi32>
      %convert_element_type3A_224 = arith.extui %eq3A_223 : vector<1x8xi1> to vector<1x8xi32>
      %convert_element_type3A_225 = arith.sitofp %convert_element_type3A_224 : vector<1x8xi32> to vector<1x8xf32>
      %mul3A_226 = vector.broadcast %broadcast_in_dim3A_220 : vector<8x1xf32> to vector<8x8xf32>
      %mul3A_227 = vector.broadcast %convert_element_type3A_225 : vector<1x8xf32> to vector<8x8xf32>
      %mul3A_228 = arith.mulf %mul3A_226, %mul3A_227 : vector<8x8xf32>
      %add3A_229 = arith.addf %add3A_207, %mul3A_228 : vector<8x8xf32>
      %get3A_230 = arith.constant 384 : index
      %get3A_231 = arith.constant 0 : index
      %get3A_232 = vector.load %arg7[%get3A_230, %get3A_231] : memref<512x64xf32, #tpu.memory_space<vmem>>, vector<64x64xf32>
      %convert_element_type3A_233 = arith.truncf %slice3A : vector<8x64xf32> to vector<8x64xbf16>
      %convert_element_type3A_234 = arith.truncf %get3A_232 : vector<64x64xf32> to vector<64x64xbf16>
      %dot_general3A_235 = arith.constant dense<0.000000e+00> : vector<8x64xf32>
      %dot_general3A_236 = tpu.matmul %convert_element_type3A_233, %convert_element_type3A_234, %dot_general3A_235 {dimension_numbers = #tpu.dot_dimension_numbers<[1], [0], [0], [1], [0, 0, 1, 1], [], []>, transpose_lhs_hint = false} : vector<8x64xbf16>, vector<64x64xbf16>, vector<8x64xf32> -> vector<8x64xf32>
      %convert_element_type3A_237 = arith.truncf %dot_general3A_236 : vector<8x64xf32> to vector<8x64xbf16>
      %convert_element_type3A_238 = arith.extf %convert_element_type3A_237 : vector<8x64xbf16> to vector<8x64xf32>
      %mul3A_239 = arith.mulf %convert_element_type3A_238, %convert_element_type3A_94 : vector<8x64xf32>
      %reduce_sum3A_240 = arith.constant dense<0.000000e+00> : vector<8xf32>
      %reduce_sum3A_241 = vector.multi_reduction <add>, %mul3A_239, %reduce_sum3A_240 [1] : vector<8x64xf32> to vector<8xf32>
      %broadcast_in_dim3A_242 = vector.shape_cast %reduce_sum3A_241 : vector<8xf32> to vector<8x1xf32>
      %eq3A_243 = arith.constant 6 : i32
      %eq3A_244 = vector.broadcast %eq3A_243 : i32 to vector<1x8xi32>
      %eq3A_245 = arith.cmpi eq, %iota3A_97, %eq3A_244 : vector<1x8xi32>
      %convert_element_type3A_246 = arith.extui %eq3A_245 : vector<1x8xi1> to vector<1x8xi32>
      %convert_element_type3A_247 = arith.sitofp %convert_element_type3A_246 : vector<1x8xi32> to vector<1x8xf32>
      %mul3A_248 = vector.broadcast %broadcast_in_dim3A_242 : vector<8x1xf32> to vector<8x8xf32>
      %mul3A_249 = vector.broadcast %convert_element_type3A_247 : vector<1x8xf32> to vector<8x8xf32>
      %mul3A_250 = arith.mulf %mul3A_248, %mul3A_249 : vector<8x8xf32>
      %add3A_251 = arith.addf %add3A_229, %mul3A_250 : vector<8x8xf32>
      %get3A_252 = arith.constant 448 : index
      %get3A_253 = arith.constant 0 : index
      %get3A_254 = vector.load %arg7[%get3A_252, %get3A_253] : memref<512x64xf32, #tpu.memory_space<vmem>>, vector<64x64xf32>
      %convert_element_type3A_255 = arith.truncf %slice3A : vector<8x64xf32> to vector<8x64xbf16>
      %convert_element_type3A_256 = arith.truncf %get3A_254 : vector<64x64xf32> to vector<64x64xbf16>
      %dot_general3A_257 = arith.constant dense<0.000000e+00> : vector<8x64xf32>
      %dot_general3A_258 = tpu.matmul %convert_element_type3A_255, %convert_element_type3A_256, %dot_general3A_257 {dimension_numbers = #tpu.dot_dimension_numbers<[1], [0], [0], [1], [0, 0, 1, 1], [], []>, transpose_lhs_hint = false} : vector<8x64xbf16>, vector<64x64xbf16>, vector<8x64xf32> -> vector<8x64xf32>
      %convert_element_type3A_259 = arith.truncf %dot_general3A_258 : vector<8x64xf32> to vector<8x64xbf16>
      %convert_element_type3A_260 = arith.extf %convert_element_type3A_259 : vector<8x64xbf16> to vector<8x64xf32>
      %mul3A_261 = arith.mulf %convert_element_type3A_260, %convert_element_type3A_94 : vector<8x64xf32>
      %reduce_sum3A_262 = arith.constant dense<0.000000e+00> : vector<8xf32>
      %reduce_sum3A_263 = vector.multi_reduction <add>, %mul3A_261, %reduce_sum3A_262 [1] : vector<8x64xf32> to vector<8xf32>
      %broadcast_in_dim3A_264 = vector.shape_cast %reduce_sum3A_263 : vector<8xf32> to vector<8x1xf32>
      %eq3A_265 = arith.constant 7 : i32
      %eq3A_266 = vector.broadcast %eq3A_265 : i32 to vector<1x8xi32>
      %eq3A_267 = arith.cmpi eq, %iota3A_97, %eq3A_266 : vector<1x8xi32>
      %convert_element_type3A_268 = arith.extui %eq3A_267 : vector<1x8xi1> to vector<1x8xi32>
      %convert_element_type3A_269 = arith.sitofp %convert_element_type3A_268 : vector<1x8xi32> to vector<1x8xf32>
      %mul3A_270 = vector.broadcast %broadcast_in_dim3A_264 : vector<8x1xf32> to vector<8x8xf32>
      %mul3A_271 = vector.broadcast %convert_element_type3A_269 : vector<1x8xf32> to vector<8x8xf32>
      %mul3A_272 = arith.mulf %mul3A_270, %mul3A_271 : vector<8x8xf32>
      %add3A_273 = arith.addf %add3A_251, %mul3A_272 : vector<8x8xf32>
      %get3A_274 = arith.constant 0 : index
      %get3A_275 = arith.constant 0 : index
      %get3A_276 = vector.load %arg8[%get3A_274, %get3A_275] : memref<8x8xf32, #tpu.memory_space<vmem>>, vector<8x8xf32>
      %convert_element_type3A_277 = arith.truncf %add3A_273 : vector<8x8xf32> to vector<8x8xbf16>
      %convert_element_type3A_278 = arith.truncf %get3A_276 : vector<8x8xf32> to vector<8x8xbf16>
      %dot_general3A_279 = arith.constant dense<0.000000e+00> : vector<8x8xf32>
      %dot_general3A_280 = tpu.matmul %convert_element_type3A_277, %convert_element_type3A_278, %dot_general3A_279 {dimension_numbers = #tpu.dot_dimension_numbers<[1], [0], [0], [1], [0, 0, 1, 1], [], []>, transpose_lhs_hint = false} : vector<8x8xbf16>, vector<8x8xbf16>, vector<8x8xf32> -> vector<8x8xf32>
      %get3A_281 = arith.constant 0 : index
      %get3A_282 = arith.constant 0 : index
      %get3A_283 = vector.load %arg9[%get3A_281, %get3A_282] : memref<1x8xf32, #tpu.memory_space<vmem>>, vector<1x8xf32>
      %add3A_284 = vector.broadcast %get3A_283 : vector<1x8xf32> to vector<8x8xf32>
      %add3A_285 = arith.addf %dot_general3A_280, %add3A_284 : vector<8x8xf32>
      %max3A_286 = arith.constant 0.000000e+00 : f32
      %max3A_287 = vector.broadcast %max3A_286 : f32 to vector<8x8xf32>
      %max3A_288 = arith.maximumf %add3A_285, %max3A_287 : vector<8x8xf32>
      %get3A_289 = arith.constant 0 : index
      %get3A_290 = arith.constant 0 : index
      %get3A_291 = vector.load %arg10[%get3A_289, %get3A_290] : memref<8x8xf32, #tpu.memory_space<vmem>>, vector<8x8xf32>
      %convert_element_type3A_292 = arith.truncf %max3A_288 : vector<8x8xf32> to vector<8x8xbf16>
      %convert_element_type3A_293 = arith.truncf %get3A_291 : vector<8x8xf32> to vector<8x8xbf16>
      %dot_general3A_294 = arith.constant dense<0.000000e+00> : vector<8x8xf32>
      %dot_general3A_295 = tpu.matmul %convert_element_type3A_292, %convert_element_type3A_293, %dot_general3A_294 {dimension_numbers = #tpu.dot_dimension_numbers<[1], [0], [0], [1], [0, 0, 1, 1], [], []>, transpose_lhs_hint = false} : vector<8x8xbf16>, vector<8x8xbf16>, vector<8x8xf32> -> vector<8x8xf32>
      %get3A_296 = arith.constant 0 : index
      %get3A_297 = arith.constant 0 : index
      %get3A_298 = vector.load %arg11[%get3A_296, %get3A_297] : memref<1x8xf32, #tpu.memory_space<vmem>>, vector<1x8xf32>
      %add3A_299 = vector.broadcast %get3A_298 : vector<1x8xf32> to vector<8x8xf32>
      %add3A_300 = arith.addf %dot_general3A_295, %add3A_299 : vector<8x8xf32>
      %max3A_301 = arith.constant 0.000000e+00 : f32
      %max3A_302 = vector.broadcast %max3A_301 : f32 to vector<8x8xf32>
      %max3A_303 = arith.maximumf %add3A_300, %max3A_302 : vector<8x8xf32>
      %get3A_304 = arith.constant 0 : index
      %get3A_305 = arith.constant 0 : index
      %get3A_306 = vector.load %arg12[%get3A_304, %get3A_305] : memref<64x64xf32, #tpu.memory_space<vmem>>, vector<64x64xf32>
      %convert_element_type3A_307 = arith.truncf %slice3A : vector<8x64xf32> to vector<8x64xbf16>
      %convert_element_type3A_308 = arith.truncf %get3A_306 : vector<64x64xf32> to vector<64x64xbf16>
      %dot_general3A_309 = arith.constant dense<0.000000e+00> : vector<8x64xf32>
      %dot_general3A_310 = tpu.matmul %convert_element_type3A_307, %convert_element_type3A_308, %dot_general3A_309 {dimension_numbers = #tpu.dot_dimension_numbers<[1], [0], [0], [1], [0, 0, 1, 1], [], []>, transpose_lhs_hint = false} : vector<8x64xbf16>, vector<64x64xbf16>, vector<8x64xf32> -> vector<8x64xf32>
      %get3A_311 = arith.constant 0 : index
      %get3A_312 = arith.constant 0 : index
      %get3A_313 = vector.load %arg13[%get3A_311, %get3A_312] : memref<64x64xf32, #tpu.memory_space<vmem>>, vector<64x64xf32>
      %convert_element_type3A_314 = arith.truncf %slice3A_92 : vector<8x64xf32> to vector<8x64xbf16>
      %convert_element_type3A_315 = arith.truncf %get3A_313 : vector<64x64xf32> to vector<64x64xbf16>
      %dot_general3A_316 = arith.constant dense<0.000000e+00> : vector<8x64xf32>
      %dot_general3A_317 = tpu.matmul %convert_element_type3A_314, %convert_element_type3A_315, %dot_general3A_316 {dimension_numbers = #tpu.dot_dimension_numbers<[1], [0], [0], [1], [0, 0, 1, 1], [], []>, transpose_lhs_hint = false} : vector<8x64xbf16>, vector<64x64xbf16>, vector<8x64xf32> -> vector<8x64xf32>
      %add3A_318 = arith.addf %dot_general3A_310, %dot_general3A_317 : vector<8x64xf32>
      %get3A_319 = arith.constant 0 : index
      %get3A_320 = arith.constant 0 : index
      %get3A_321 = vector.load %arg14[%get3A_319, %get3A_320] : memref<8x64xf32, #tpu.memory_space<vmem>>, vector<8x64xf32>
      %convert_element_type3A_322 = arith.truncf %max3A_303 : vector<8x8xf32> to vector<8x8xbf16>
      %convert_element_type3A_323 = arith.truncf %get3A_321 : vector<8x64xf32> to vector<8x64xbf16>
      %dot_general3A_324 = arith.constant dense<0.000000e+00> : vector<8x64xf32>
      %dot_general3A_325 = tpu.matmul %convert_element_type3A_322, %convert_element_type3A_323, %dot_general3A_324 {dimension_numbers = #tpu.dot_dimension_numbers<[1], [0], [0], [1], [0, 0, 1, 1], [], []>, transpose_lhs_hint = false} : vector<8x8xbf16>, vector<8x64xbf16>, vector<8x64xf32> -> vector<8x64xf32>
      %add3A_326 = arith.addf %add3A_318, %dot_general3A_325 : vector<8x64xf32>
      %get3A_327 = arith.constant 0 : index
      %get3A_328 = arith.constant 0 : index
      %get3A_329 = vector.load %arg15[%get3A_327, %get3A_328] : memref<1x64xf32, #tpu.memory_space<vmem>>, vector<1x64xf32>
      %add3A_330 = vector.broadcast %get3A_329 : vector<1x64xf32> to vector<8x64xf32>
      %add3A_331 = arith.addf %add3A_326, %add3A_330 : vector<8x64xf32>
      %max3A_332 = arith.constant 0.000000e+00 : f32
      %max3A_333 = vector.broadcast %max3A_332 : f32 to vector<8x64xf32>
      %max3A_334 = arith.maximumf %add3A_331, %max3A_333 : vector<8x64xf32>
      %get3A_335 = arith.constant 0 : index
      %get3A_336 = arith.constant 0 : index
      %get3A_337 = vector.load %arg16[%get3A_335, %get3A_336] : memref<64x32xf32, #tpu.memory_space<vmem>>, vector<64x32xf32>
      %convert_element_type3A_338 = arith.truncf %max3A_334 : vector<8x64xf32> to vector<8x64xbf16>
      %convert_element_type3A_339 = arith.truncf %get3A_337 : vector<64x32xf32> to vector<64x32xbf16>
      %dot_general3A_340 = arith.constant dense<0.000000e+00> : vector<8x32xf32>
      %dot_general3A_341 = tpu.matmul %convert_element_type3A_338, %convert_element_type3A_339, %dot_general3A_340 {dimension_numbers = #tpu.dot_dimension_numbers<[1], [0], [0], [1], [0, 0, 1, 1], [], []>, transpose_lhs_hint = false} : vector<8x64xbf16>, vector<64x32xbf16>, vector<8x32xf32> -> vector<8x32xf32>
      %get3A_342 = arith.constant 0 : index
      %get3A_343 = arith.constant 0 : index
      %get3A_344 = vector.load %arg17[%get3A_342, %get3A_343] : memref<1x32xf32, #tpu.memory_space<vmem>>, vector<1x32xf32>
      %add3A_345 = vector.broadcast %get3A_344 : vector<1x32xf32> to vector<8x32xf32>
      %add3A_346 = arith.addf %dot_general3A_341, %add3A_345 : vector<8x32xf32>
      %max3A_347 = arith.constant 0.000000e+00 : f32
      %max3A_348 = vector.broadcast %max3A_347 : f32 to vector<8x32xf32>
      %max3A_349 = arith.maximumf %add3A_346, %max3A_348 : vector<8x32xf32>
      %get3A_350 = arith.constant 0 : index
      %get3A_351 = arith.constant 0 : index
      %get3A_352 = vector.load %arg18[%get3A_350, %get3A_351] : memref<32x1xf32, #tpu.memory_space<vmem>>, vector<32x1xf32>
      %convert_element_type3A_353 = arith.truncf %max3A_349 : vector<8x32xf32> to vector<8x32xbf16>
      %convert_element_type3A_354 = arith.truncf %get3A_352 : vector<32x1xf32> to vector<32x1xbf16>
      %dot_general3A_355 = arith.constant dense<0.000000e+00> : vector<8x1xf32>
      %dot_general3A_356 = tpu.matmul %convert_element_type3A_353, %convert_element_type3A_354, %dot_general3A_355 {dimension_numbers = #tpu.dot_dimension_numbers<[1], [0], [0], [1], [0, 0, 1, 1], [], []>, transpose_lhs_hint = false} : vector<8x32xbf16>, vector<32x1xbf16>, vector<8x1xf32> -> vector<8x1xf32>
      %get3A_357 = arith.constant 0 : index
      %get3A_358 = arith.constant 0 : index
      %get3A_359 = vector.load %arg19[%get3A_357, %get3A_358] : memref<1x1xf32, #tpu.memory_space<vmem>>, vector<1x1xf32>
      %add3A_360 = vector.broadcast %get3A_359 : vector<1x1xf32> to vector<8x1xf32>
      %add3A_361 = arith.addf %dot_general3A_356, %add3A_360 : vector<8x1xf32>
      %reshape3A = vector.shape_cast %add3A_361 : vector<8x1xf32> to vector<1x8xf32>
      %swap3A_362 = arith.constant 0 : index
      %swap3A_363 = arith.constant 0 : index
      %swap3A_364 = vector.load %arg20[%swap3A_362, %swap3A_363] : memref<1x8xf32, #tpu.memory_space<vmem>>, vector<1x8xf32>
      tpu.vector_store %arg20[%swap3A_362, %swap3A_363], %reshape3A {strides = array<i32>} : memref<1x8xf32, #tpu.memory_space<vmem>>, vector<1x8xf32>,
    } else {
    }
    return
  }
  func.func @transform_0(%arg0: i32) -> (i32, i32) {
    %c0_i32 = arith.constant 0 : i32
    %c0_i32_0 = arith.constant 0 : i32
    return %arg0, %c0_i32 : i32, i32
  }
  func.func @transform_1(%arg0: i32) -> (i32, i32) {
    %c0_i32 = arith.constant 0 : i32
    %c0_i32_0 = arith.constant 0 : i32
    %c0_i32_1 = arith.constant 0 : i32
    return %c0_i32, %c0_i32_0 : i32, i32
  }
  func.func @transform_2(%arg0: i32) -> (i32, i32) {
    %c0_i32 = arith.constant 0 : i32
    %c0_i32_0 = arith.constant 0 : i32
    %c0_i32_1 = arith.constant 0 : i32
    return %c0_i32, %c0_i32_0 : i32, i32
  }
  func.func @transform_3(%arg0: i32) -> (i32, i32) {
    %c0_i32 = arith.constant 0 : i32
    %c0_i32_0 = arith.constant 0 : i32
    %c0_i32_1 = arith.constant 0 : i32
    return %c0_i32, %c0_i32_0 : i32, i32
  }
  func.func @transform_4(%arg0: i32) -> (i32, i32) {
    %c0_i32 = arith.constant 0 : i32
    %c0_i32_0 = arith.constant 0 : i32
    %c0_i32_1 = arith.constant 0 : i32
    return %c0_i32, %c0_i32_0 : i32, i32
  }
  func.func @transform_5(%arg0: i32) -> (i32, i32, i32) {
    %c0_i32 = arith.constant 0 : i32
    %c0_i32_0 = arith.constant 0 : i32
    %c0_i32_1 = arith.constant 0 : i32
    return %arg0, %c0_i32, %c0_i32_0 : i32, i32, i32
  }
  func.func @transform_6(%arg0: i32) -> (i32, i32) {
    %c0_i32 = arith.constant 0 : i32
    %c0_i32_0 = arith.constant 0 : i32
    %c0_i32_1 = arith.constant 0 : i32
    return %c0_i32, %c0_i32_0 : i32, i32
  }
  func.func @transform_7(%arg0: i32) -> (i32, i32) {
    %c0_i32 = arith.constant 0 : i32
    %c0_i32_0 = arith.constant 0 : i32
    %c0_i32_1 = arith.constant 0 : i32
    return %c0_i32, %c0_i32_0 : i32, i32
  }
  func.func @transform_8(%arg0: i32) -> (i32, i32) {
    %c0_i32 = arith.constant 0 : i32
    %c0_i32_0 = arith.constant 0 : i32
    %c0_i32_1 = arith.constant 0 : i32
    return %c0_i32, %c0_i32_0 : i32, i32
  }
  func.func @transform_9(%arg0: i32) -> (i32, i32) {
    %c0_i32 = arith.constant 0 : i32
    %c0_i32_0 = arith.constant 0 : i32
    %c0_i32_1 = arith.constant 0 : i32
    return %c0_i32, %c0_i32_0 : i32, i32
  }
  func.func @transform_10(%arg0: i32) -> (i32, i32) {
    %c0_i32 = arith.constant 0 : i32
    %c0_i32_0 = arith.constant 0 : i32
    %c0_i32_1 = arith.constant 0 : i32
    return %c0_i32, %c0_i32_0 : i32, i32
  }
  func.func @transform_11(%arg0: i32) -> (i32, i32) {
    %c0_i32 = arith.constant 0 : i32
    %c0_i32_0 = arith.constant 0 : i32
    %c0_i32_1 = arith.constant 0 : i32
    return %c0_i32, %c0_i32_0 : i32, i32
  }
  func.func @transform_12(%arg0: i32) -> (i32, i32) {
    %c0_i32 = arith.constant 0 : i32
    %c0_i32_0 = arith.constant 0 : i32
    %c0_i32_1 = arith.constant 0 : i32
    return %c0_i32, %c0_i32_0 : i32, i32
  }
  func.func @transform_13(%arg0: i32) -> (i32, i32) {
    %c0_i32 = arith.constant 0 : i32
    %c0_i32_0 = arith.constant 0 : i32
    %c0_i32_1 = arith.constant 0 : i32
    return %c0_i32, %c0_i32_0 : i32, i32
  }
  func.func @transform_14(%arg0: i32) -> (i32, i32) {
    %c0_i32 = arith.constant 0 : i32
    %c0_i32_0 = arith.constant 0 : i32
    %c0_i32_1 = arith.constant 0 : i32
    return %c0_i32, %c0_i32_0 : i32, i32
  }
  func.func @transform_15(%arg0: i32) -> (i32, i32) {
    %c0_i32 = arith.constant 0 : i32
    %c0_i32_0 = arith.constant 0 : i32
    %c0_i32_1 = arith.constant 0 : i32
    return %c0_i32, %c0_i32_0 : i32, i32
  }
  func.func @transform_16(%arg0: i32) -> (i32, i32) {
    %c0_i32 = arith.constant 0 : i32
    %c0_i32_0 = arith.constant 0 : i32
    %c0_i32_1 = arith.constant 0 : i32
    return %c0_i32, %c0_i32_0 : i32, i32
  }
  func.func @transform_17(%arg0: i32) -> (i32, i32) {
    %c0_i32 = arith.constant 0 : i32
    %c0_i32_0 = arith.constant 0 : i32
    %c0_i32_1 = arith.constant 0 : i32
    return %c0_i32, %c0_i32_0 : i32, i32
  }
  func.func @transform_18(%arg0: i32) -> (i32, i32) {
    %c0_i32 = arith.constant 0 : i32
    %c0_i32_0 = arith.constant 0 : i32
    %c0_i32_1 = arith.constant 0 : i32
    return %c0_i32, %c0_i32_0 : i32, i32
  }
  func.func @transform_19(%arg0: i32) -> (i32, i32) {
    %c0_i32 = arith.constant 0 : i32
    %c0_i32_0 = arith.constant 0 : i32
    %c0_i32_1 = arith.constant 0 : i32
    return %c0_i32, %c0_i32_0 : i32, i32
  }
}

</mosaic_0001>

<sc_bundles>
// kernel: kernel.6.cloned.1.call-start
scs
__scs_entry_jumppad:
0x0: {  	(pc) =	sbr.rel $0x88, $3  }
0x1: {  	(tag) =	ssettag $0x0;
	lr =	simm.s32 $0x1  }
0x2: {  	[smem:$0x3F88] =	sst lr;
	_ =	strace $0xD0000000  }
0x3: {  	_ = 	snop  }
0x4: {  	_ = 	snop  }
0x5: {  	_ = 	snop  }
0x6: {  	_ = 	snop  }
0x7: {  	_ = 	snop  }
__scs_overlays_trampoline_lowered:
0x8: {  	[smem:$0x3F97] =	sst s0  }
0x9: {  	[smem:$0x3F98] =	sst s1  }
0xa: {  	[smem:$0x3F99] =	sst s2  }
0xb: {  	[smem:$0x3F9A] =	sst s3  }
0xc: {  	[smem:$0x3F9B] =	sst s4  }
0xd: {  	[smem:$0x3F9C] =	sst s5  }
0xe: {  	[smem:$0x3F9D] =	sst s6  }
0xf: {  	[smem:$0x3F9E] =	sst s7  }
0x10: {  	[smem:$0x3F9F] =	sst s8  }
0x11: {  	[smem:$0x3FA0] =	sst s9;
	s0 =	simm.s32 @!p0 $0x0  }
0x12: {  	s1 =	sld [smem:$0x3F86];
	s0 =	simm.s32 @p0 $0x1  }
0x13: {  	[smem:$0x3FA1] =	sst s0;
	s0 =	simm.s32 @!p1 $0x0  }
0x14: {  	s2 =	sld [smem:$0x3F85];
	s0 =	simm.s32 @p1 $0x1  }
0x15: {  	[smem:$0x3FA2] =	sst s0;
	s0 =	simm.s32 @!p2 $0x0  }
0x16: {  	s3 =	sld [smem:$0x3FDB];
	s0 =	simm.s32 @p2 $0x1  }
0x17: {  	s4 =	simm.s32 $0x1BF5;
	[smem:$0x3FA4] =	sst s0  }
0x18: {  	s0 =	sld [smem:$0x3F87];
	_ =	swait.ge [sflag:s4], $0x0  }
0x19: {  	s7 =	sld [smem:$0x3F88]  }
0x1a: {  	s8 =	sadd.s32 $0xFFFFE003, lr  }
0x1b: {  	s9 =	sadd.s32 $0xFFFFFEF7, lr;
	s5 =	simm.s32 $0xFFFFFFFF;
	p2 =	slt.u32 s8, $0xFFFFF086  }
0x1c: {  	p1 =	slt.u32 s9, $0xF7A;
	s5 =	simm.s32 @!p2 $0x0  }
0x1d: {  	s5 =	simm.s32 @p1 $0x1;
	p0 =	seq.s32 s7, s2  }
0x1e: {  	s7 =	smul.u32 @!p0 $0xF7A, s2;
	p2 =	seq.s32 @!p0 s5, $0x0  }
0x1f: {  	s9 =	smul.u32 $0xF7A, s1;
	s8 =	simm.s32 @!p0 $0x1BF5;
	p2 =	por !p2, p0  }
0x20: {  	[sflag:s8] =	ssyncset.s32 @!p0 $0xFFFFF086;
	s6 =	sadd.s32 @!p0 s3, s7;
	s7 =	simm.s32 @!p0 $0x108  }
0x21: {  	s3 =	sadd.s32 s3, s9;
	s6 =	sadd.s32 @!p0 $0x88, s6;
	s7 =	simm.s32 @p2 $0x1082  }
0x22: {  	[simem:s7], [sflag:s8] =	dma.local @!p0 [hbm:s6], $0xF7A  }
0x23: {  	s9 =	sor.u32 $0xD0000000, s2;
	s6 =	simm.s32 $0x108;
	_ =	swait.ge @!p0 [sflag:s8], $0x0  }
0x24: {  	s3 =	sadd.s32 $0x88, s3;
	s6 =	simm.s32 @!p1 $0x1082;
	[sflag:s4] =	ssyncset.s32 $0xFFFFF086  }
0x25: {  	[simem:s6], [sflag:s4] =	dma.local [hbm:s3], $0xF7A  }
0x26: {  	[smem:$0x3F88] =	sst s1;
	(tag) =	ssettag s2;
	_ =	strace s9  }
0x27: {  	s1 =	sld [smem:$0x3F98]  }
0x28: {  	s2 =	sld [smem:$0x3F99]  }
0x29: {  	s4 =	sld [smem:$0x3F9B]  }
0x2a: {  	p0 =	seq.s32 s5, $0x0;
	s5 =	sld [smem:$0x3F9C]  }
0x2b: {  	s6 =	sld [smem:$0x3F9D]  }
0x2c: {  	s7 =	sld [smem:$0x3F9E]  }
0x2d: {  	s3 =	simm.s32 $0x108;
	s8 =	sld [smem:$0x3F9F]  }
0x2e: {  	s3 =	simm.s32 @!p0 $0x1082;
	s9 =	sld [smem:$0x3FA0]  }
0x2f: {  	lr =	sadd.s32 s0, s3;
	s0 =	sld [smem:$0x3F97]  }
0x30: {  	s3 =	sld [smem:$0x3F9A]  }
0x31: {  	[smem:$0x3FA3] =	sst s10  }
0x32: {  	s10 =	sld [smem:$0x3FA1];
	_ =	sdelay $0x3  }
0x33: {  	p0 =	seq.s32 s10, $0x1;
	s10 =	sld [smem:$0x3FA3];
	_ =	sdelay $0x3  }
0x34: {  	[smem:$0x3FA3] =	sst s10  }
0x35: {  	s10 =	sld [smem:$0x3FA2];
	_ =	sdelay $0x3  }
0x36: {  	p1 =	seq.s32 s10, $0x1;
	s10 =	sld [smem:$0x3FA3];
	_ =	sdelay $0x3  }
0x37: {  	[smem:$0x3FA3] =	sst s10  }
0x38: {  	s10 =	sld [smem:$0x3FA4]  }
0x39: {  	_ = 	snop;
	(pc) =	sbr.ind lr, $3  }
0x3a: {  	_ = 	snop  }
0x3b: {  	_ = 	snop  }
0x3c: {  	p2 =	seq.s32 s10, $0x1;
	s10 =	sld [smem:$0x3FA3]  }
0x3d: {  	_ =	shalt  }
0x3e: {  	_ =	shalt  }
0x3f: {  	_ =	shalt  }
0x40: {  	_ =	shalt  }
0x41: {  	_ =	shalt  }
0x42: {  	_ =	shalt  }
0x43: {  	_ =	shalt  }
0x44: {  	_ =	shalt  }
0x45: {  	_ =	shalt  }
0x46: {  	_ =	shalt  }
0x47: {  	_ =	shalt  }
0x48: {  	_ =	shalt  }
0x49: {  	_ =	shalt  }
0x4a: {  	_ =	shalt  }
0x4b: {  	_ =	shalt  }
0x4c: {  	_ =	shalt  }
0x4d: {  	_ =	shalt  }
0x4e: {  	_ =	shalt  }
0x4f: {  	_ =	shalt  }
0x50: {  	_ =	shalt  }
0x51: {  	_ =	shalt  }
0x52: {  	_ =	shalt  }
0x53: {  	_ =	shalt  }
0x54: {  	_ =	shalt  }
0x55: {  	_ =	shalt  }
0x56: {  	_ =	shalt  }
0x57: {  	_ =	shalt  }
0x58: {  	_ =	shalt  }
0x59: {  	_ =	shalt  }
0x5a: {  	_ =	shalt  }
0x5b: {  	_ =	shalt  }
0x5c: {  	_ =	shalt  }
0x5d: {  	_ =	shalt  }
0x5e: {  	_ =	shalt  }
0x5f: {  	_ =	shalt  }
0x60: {  	_ =	shalt  }
0x61: {  	_ =	shalt  }
0x62: {  	_ =	shalt  }
0x63: {  	_ =	shalt  }
0x64: {  	_ =	shalt  }
0x65: {  	_ =	shalt  }
0x66: {  	_ =	shalt  }
0x67: {  	_ =	shalt  }
0x68: {  	_ =	shalt  }
0x69: {  	_ =	shalt  }
0x6a: {  	_ =	shalt  }
0x6b: {  	_ =	shalt  }
0x6c: {  	_ =	shalt  }
0x6d: {  	_ =	shalt  }
0x6e: {  	_ =	shalt  }
0x6f: {  	_ =	shalt  }
0x70: {  	_ =	shalt  }
0x71: {  	_ =	shalt  }
0x72: {  	_ =	shalt  }
0x73: {  	_ =	shalt  }
0x74: {  	_ =	shalt  }
0x75: {  	_ =	shalt  }
0x76: {  	_ =	shalt  }
0x77: {  	_ =	shalt  }
0x78: {  	_ =	shalt  }
0x79: {  	_ =	shalt  }
0x7a: {  	_ =	shalt  }
0x7b: {  	_ =	shalt  }
0x7c: {  	_ =	shalt  }
0x7d: {  	_ =	shalt  }
0x7e: {  	_ =	shalt  }
0x7f: {  	_ =	shalt  }
0x80: {  	_ =	shalt  }
0x81: {  	_ =	shalt  }
0x82: {  	_ =	shalt  }
0x83: {  	_ =	shalt  }
0x84: {  	_ =	shalt  }
0x85: {  	_ =	shalt  }
0x86: {  	_ =	shalt  }
0x87: {  	_ =	shalt  }
.Lfunc_end0:
.L_simem_size_0:
called_computation_lowered:
.L_overlay_start_0:
0x88: {  	s2 =	sld [smem:$0x3FD9]  }
0x89: {  	s3 =	sld [smem:$0x3FFE];
	_ =	sdelay $0x1  }
0x8a: {  	s1 =	srdreg.scid  }
0x8b: {  	s0 =	sand.u32 $0x1, s1  }
0x8c: {  	s17 =	sshll.u32 s0, $0xA;
	s2 =	sadd.s32 s3, s2  }
0x8d: {  	s2 =	sadd.s32 s2, s17  }
0x8e: {  	[smem:$0x3FAF] =	sst s2  }
0x8f: {  	_ = 	snop  }
0x90: {  	s2 =	sld [smem:$0x3FC9]  }
0x91: {  	s18 =	sld [smem:$0x3FC6];
	(tm) =	ssettm $0x1  }
0x92: {  	s4 =	sld [smem:$0x3FFB];
	_ =	sdelay $0x3  }
0x93: {  	_ =	strace s4  }
0x94: {  	s4 =	sld [smem:$0x3FFC];
	_ =	sdelay $0x3  }
0x95: {  	_ =	strace s4  }
0x96: {  	s4 =	sld [smem:$0x3FFD];
	_ =	sdelay $0x3  }
0x97: {  	_ =	strace s4  }
0x98: {  	_ =	strace $0x8FFFFFFF  }
0x99: {  	s19 =	sld [smem:$0x3FDB];
	_ =	sdelay $0x1  }
0x9a: {  	s5 =	simm.s32 $_scs_section_size  }
0x9b: {  	s6 =	simm.s32 $_size__tile_overlayer_lowered;
	s7 =	simm.s32 $_tile_overlayer_lowered  }
0x9c: {  	s22 =	simm.s32 $0x1BFF;
	s21 =	sshll.u32 s7, $0x1;
	s4 =	sadd.s32 s5, s19  }
0x9d: {  	s8 =	simm.s32 $0x0;
	s20 =	sshll.u32 s6, $0x1;
	s6 =	sadd.s32 s21, s4  }
0x9e: {  	[timem:s8], [sflag:s22] =	dma.local [hbm:s6], s20  }
0x9f: {  	_ =	swait.ge [sflag:s22], s20  }
0xa0: {  	s5 =	ssub.s32 $0x0, s20;
	[sflag:s22] =	ssyncset.done $0x0  }
0xa1: {  	[sflag:s22] =	ssyncadd.s32 s5;
	_ =	sdelay $0x1  }
0xa2: {  	s23 =	simm.s32 $0x1B8B  }
0xa3: {  	_ =	swait.ge [sflag:s23], $0x1  }
0xa4: {  	[sflag:s23] =	ssyncset.done $0x0  }
0xa5: {  	s25 =	simm.s32 $0x1B8E;
	s24 =	sld [smem:$0x3FFE];
	[sflag:s23] =	ssyncadd.s32 $0xFFFFFFFF  }
0xa6: {  	s26 =	simm.s32 $execute0_lowered;
	[smem:$0x3FD2] =	sst s25  }
0xa7: {  	s6 =	sshll.u32 s26, $0x1;
	_ =	strace $0x80000046;
	[dreg:$0x1] =	wrdreg $0xFFFFFFFF  }
0xa8: {  	s28 =	simm.s32 $_size_execute0_lowered;
	s4 =	sadd.s32 s4, s6;
	[dreg:$0x0] =	wrdreg $0x0  }
0xa9: {  	s6 =	sshll.u32 s28, $0x1;
	[dreg:$0x2] =	wrdreg s4  }
0xaa: {  	[dreg:$0x3] =	wrdreg s6  }
0xab: {  	[dreg:$0x4] =	wrdreg $0xC0  }
0xac: {  	_ =	task [dreg:s8], $0x5FFFF  }
0xad: {  	[dreg:$0x1] =	wrdreg $0xFFFFFFFF  }
0xae: {  	[dreg:$0x0] =	wrdreg $0x60  }
0xaf: {  	[dreg:$0x2] =	wrdreg s2  }
0xb0: {  	[dreg:$0x3] =	wrdreg s18  }
0xb1: {  	[dreg:$0x4] =	wrdreg s24  }
0xb2: {  	[dreg:$0x5] =	wrdreg $0x0  }
0xb3: {  	[dreg:$0x6] =	wrdreg $0x9  }
0xb4: {  	_ =	task.clear_ibuf [dreg:s8], $0x7FFFF;
	_ =	strace $0x90000046  }
0xb5: {  	s29 =	simm.s32 $0x9;
	_ =	strace $0x80000048  }
0xb6: {  	_ =	swait.ge [sflag:s29], $0x1  }
0xb7: {  	[sflag:s29] =	ssyncadd.s32 $0xFFFFFFFF  }
0xb8: {  	_ =	strace $0x90000048  }
0xb9: {  	_ =	sfence  }
0xba: {  	s30 =	sld [smem:$0x0];
	_ =	sdelay $0x2  }
0xbb: {  	s31 =	sshll.u32 s1, $0xD;
	s1 =	sshrl.u32 s1, $0x2  }
0xbc: {  	s3 =	sand.u32 $0x4000, s31;
	s1 =	sadd.s32 s1, s30  }
0xbd: {  	s0 =	sor.u32 s3, s0;
	s1 =	sshll.u32 s1, $0x11  }
0xbe: {  	s0 =	sor.u32 s1, s0  }
0xbf: {  	s0 =	sadd.s32 $0x8F2B, s0  }
0xc0: {  	[sflag:s0] =	ssyncadd.remote.s32 $0x1  }
0xc1: {  	_ =	sfence.sel $0xFFFF  }
0xc2: {  	[dreg:$0x0] =	wrdreg $0xFFFFFFFF;
	(pc) =	sbr.abs _section_cstart, $3  }
0xc3: {  	[dreg:$0x1] =	wrdreg $0xFFFFFFFF  }
0xc4: {  	_ =	task.clear_ibuf [dreg:s8], $0x2FFFF;
	_ =	strace $0x9FFFFFFF  }
0xc5: {  	(tm) =	ssettm $0x7FFFFFFF  }
tec
execute0_lowered:
.L_overlay_start_1:
0x0: {  	(tag) =	ssettag $0x1  }
0x1: {  	s1 =	rddreg [dreg:$0x0]  }
0x2: {  	s2 =	rddreg [dreg:$0x1]  }
0x3: {  	s0 =	rddreg [dreg:$0x2]  }
0x4: {  	s3 =	rddreg [dreg:$0x3];
	s5 =	simm.s32 $0x0;
	s6 =	srdreg.scid  }
0x5: {  	s4 =	stileid.u32;
	s28 =	simm.s32 $0x138E0;
	s29 =	simm.s32 $0x1E500  }
0x6: {  	s30 =	simm.s32 $0x1;
	s31 =	simm.s32 $0x2;
	s8 =	smul.u32 $0x2780, s4  }
0x7: {  	[smem:$0x7FF] =	sst s5;
	s6 =	sand.u32 $0x1, s6;
	s12 =	smul.u32 $0x13C00, s4  }
0x8: {  	s7 =	sadd.s32 $0x2A00, s0;
	s10 =	sadd.s32 $0x16400, s0;
	s18 =	smul.u32 $0x4E20, s4  }
0x9: {  	s13 =	smul.u32 $0x4F000, s4;
	s15 =	sadd.s32 $0x25080, s1;
	s24 =	sadd.s32 $0x4EE80, s0  }
0xa: {  	s26 =	sadd.s32 $0x25080, s2;
	_ =	strace $0x80000047;
	[dreg:$0x6] =	wrdreg s15  }
0xb: {  	p1 =	seq.s32 s4, $0xF;
	s9 =	ssub.s32 $0x2, s6;
	[dreg:$0xa] =	wrdreg s24  }
0xc: {  	p0 =	seq.s32 s6, $0x1;
	[dreg:$0xc] =	wrdreg s26;
	s26 =	simm.s32 $0x1D500  }
0xd: {  	s11 =	sshrl.u32 s9, $0x1;
	s14 =	sadd.s32 s8, s0;
	s6 =	sadd.s32 s12, s3  }
0xe: {  	s19 =	sshrl.u32 s12, $0x3;
	s20 =	sshrl.u32 s18, $0x3;
	s8 =	sadd.s32 $0x128400, s3  }
0xf: {  	s22 =	sshrl.u32 s13, $0x2;
	s9 =	ssub.s32 s9, s11;
	s12 =	sadd.s32 s1, s19  }
0x10: {  	s21 =	sadd.s32 $0x9C40, s20;
	s16 =	sadd.s32 s7, s20;
	s23 =	sadd.s32 $0x29E00, s14  }
0x11: {  	s13 =	sadd.s32 s22, s3;
	s25 =	sadd.s32 s2, s19;
	s17 =	sadd.s32 s10, s20  }
0x12: {  	s19 =	sadd.s32 $0x50F00, s14;
	s20 =	sadd.s32 $0x75F80, s0;
	[dreg:$0x5] =	wrdreg s12  }
.Ltmp0:
0x13: {  	s22 =	simm.s32 $0x138C0;
	[dreg:$0x7] =	wrdreg s16;
	(pc) =	sbr.rel .LBB2_1-.Ltmp0, $4  }
0x14: {  	s0 =	simm.s32 $0x1D4A0;
	s7 =	sadd.s32 s7, s21;
	[dreg:$0x9] =	wrdreg s23  }
0x15: {  	[dreg:$0xb] =	wrdreg s25;
	s18 =	sadd.s32 s10, s21;
	s21 =	smax.u32 s9, $0x1  }
0x16: {  	s23 =	simm.s32 $0x3;
	s25 =	simm.s32 $0x20;
	s9 =	simm.s32 $0x1D4C0  }
0x17: {  	s10 =	simm.s32 $0x1D4E0;
	[dreg:$0x8] =	wrdreg s7;
	s7 =	simm.s32 $0x186C0  }
.LBB2_7:
0x18: {  	[tilespmem:s29], [sflag:$0x2] =	stream.indirect.gather [hbm4b:s2+s25], $0x80, s16, s25, $0xb8;
	[tilespmem:$0x1F500] =	vst v63  }
0x19: {  	_ =	swait.ge [sflag:s30], $0x1000  }
0x1a: {  	[sflag:s30] =	ssyncset.done $0x0  }
0x1b: {  	[sflag:s30] =	ssyncadd.s32 $0xFFFFF000  }
0x1c: {  	[spmem:s3] =	stream.indirect.scatter.add.f32 [tilespmem:s26], [sflag:$0x3], $0x80, s0, s25, $0xb8;
	[tilespmem:$0x1F500] =	vst v63  }
0x1d: {  	_ =	swait.ge [sflag:s23], $0x1000  }
0x1e: {  	[sflag:s23] =	ssyncset.done $0x0  }
0x1f: {  	[sflag:s23] =	ssyncadd.s32 $0xFFFFF000  }
0x20: {  	[tilespmem:s26], [sflag:$0x1] =	stream.indirect.gather [hbm4b:s2+s25], $0x80, s7, s25, $0xb8;
	[tilespmem:$0x1F500] =	vst v63  }
0x21: {  	_ =	swait.ge [sflag:s31], $0x1000  }
0x22: {  	[sflag:s31] =	ssyncset.done $0x0  }
0x23: {  	[sflag:s31] =	ssyncadd.s32 $0xFFFFF000  }
0x24: {  	[spmem:s3] =	stream.indirect.scatter.add.f32 [tilespmem:s29], [sflag:$0x3], $0x80, s9, s25, $0xb8;
	[tilespmem:$0x1F500] =	vst v63  }
0x25: {  	_ =	swait.ge [sflag:s23], $0x1000  }
0x26: {  	[sflag:s23] =	ssyncset.done $0x0  }
0x27: {  	[sflag:s23] =	ssyncadd.s32 $0xFFFFF000  }
0x28: {  	_ =	swait.ge [sflag:s30], $0x1000  }
0x29: {  	[sflag:s30] =	ssyncset.done $0x0  }
0x2a: {  	[sflag:s30] =	ssyncadd.s32 $0xFFFFF000  }
0x2b: {  	[spmem:s3] =	stream.indirect.scatter.add.f32 [tilespmem:s26], [sflag:$0x3], $0x80, s10, s25, $0xb8;
	[tilespmem:$0x1F500] =	vst v63  }
0x2c: {  	_ =	swait.ge [sflag:s23], $0x1000  }
0x2d: {  	[sflag:s23] =	ssyncset.done $0x0  }
0x2e: {  	[sflag:s23] =	ssyncadd.s32 $0xFFFFF000  }
0x2f: {  	s15 =	simm.s32 @p1 $0x1FC3;
	[bflag:$0x0] =	sbarrier.arrive $0xFFFF  }
0x30: {  	[hbm:s20], [sflag:s15] =	dma.local @p1 [spmem:s14], $0x2080  }
0x31: {  	s14 =	simm.s32 @p1 $0x3  }
0x32: {  	_ =	swait.ge @p1 [sflag:s14], $0x2080  }
0x33: {  	[sflag:s14] =	ssyncset.done @p1 $0x0  }
0x34: {  	[sflag:s14] =	ssyncadd.s32 @p1 $0xFFFFDF80  }
0x35: {  	[hbm:s19], [sflag:s12] =	dma.local @!p1 [spmem:s11], $0x2780  }
0x36: {  	s11 =	simm.s32 @!p1 $0x3  }
0x37: {  	_ =	swait.ge @!p1 [sflag:s11], $0x2780  }
0x38: {  	[sflag:s11] =	ssyncset.done @!p1 $0x0  }
0x39: {  	[sflag:s11] =	ssyncadd.s32 @!p1 $0xFFFFD880  }
.LBB2_8:
0x3a: {  	s5 =	sadd.s32 $0x1, s5  }
0x3b: {  	p2 =	sne.s32 s5, s21  }
.Ltmp1:
0x3c: {  	_ = 	snop;
	(pc) =	sbr.rel @!p2 .LBB2_9-.Ltmp1, $1  }
0x3d: {  	_ =	sdelay $0x3  }
.LBB2_1:
.Ltmp2:
0x3e: {  	(pc) =	sbr.rel @!p0 .LBB2_2-.Ltmp2, $3  }
0x3f: {  	_ =	sdelay $0x1  }
0x40: {  	s14 =	sshrl.u32 @p1 s8, $0x3;
	s12 =	sshll.u32 @!p1 s4, $0x6  }
0x41: {  	s15 =	sshrl.u32 @!p1 s6, $0x3;
	s11 =	sshrl.u32 @!p1 s13, $0x3;
	s12 =	sor.u32 @!p1 $0x1C03, s12  }
0x42: {  	s16 =	simm.s32 @p1 $0x1FC3;
	s24 =	rddreg [dreg:$0xc]  }
0x43: {  	[spmem:s14], [sflag:s16] =	dma.local @p1 [hbm:s24], $0x2080  }
0x44: {  	s16 =	simm.s32 @p1 $0x3  }
0x45: {  	_ =	swait.ge @p1 [sflag:s16], $0x2080  }
0x46: {  	[sflag:s16] =	ssyncset.done @p1 $0x0  }
0x47: {  	[sflag:s16] =	ssyncadd.s32 @p1 $0xFFFFDF80;
	s16 =	rddreg [dreg:$0xb]  }
0x48: {  	[spmem:s15], [sflag:s12] =	dma.local @!p1 [hbm:s16], $0x2780  }
0x49: {  	s15 =	simm.s32 @!p1 $0x3  }
0x4a: {  	_ =	swait.ge @!p1 [sflag:s15], $0x2780  }
0x4b: {  	[sflag:s15] =	ssyncset.done @!p1 $0x0  }
0x4c: {  	s16 =	simm.s32 $0x0;
	[sflag:s15] =	ssyncadd.s32 @!p1 $0xFFFFD880  }
0x4d: {  	[tilespmem:s22], [sflag:$0x3] =	stream.linear.gather [hbm4b:s17+s16], $0x4E20, $0x38;
	[tilespmem:$0x1F500] =	vst v63  }
0x4e: {  	_ =	swait.ge [sflag:s23], $0x4E20  }
0x4f: {  	[sflag:s23] =	ssyncset.done $0x0  }
0x50: {  	s24 =	simm.s32 $0x186E0;
	[sflag:s23] =	ssyncadd.s32 $0xFFFFB1E0  }
0x51: {  	[tilespmem:s24], [sflag:$0x3] =	stream.linear.gather [hbm4b:s18+s16], $0x4E20, $0x38;
	[tilespmem:$0x1F500] =	vst v63  }
0x52: {  	_ =	swait.ge [sflag:s23], $0x4E20  }
0x53: {  	[sflag:s23] =	ssyncset.done $0x0  }
0x54: {  	[sflag:s23] =	ssyncadd.s32 $0xFFFFB1E0  }
0x55: {  	[bflag:$0x0] =	sbarrier.arrive $0xFFFF  }
0x56: {  	[tilespmem:s26], [sflag:$0x1] =	stream.indirect.gather [hbm4b:s2+s25], $0x80, s22, s25, $0xb8;
	[tilespmem:$0x1F500] =	vst v63  }
0x57: {  	_ = 	snop  }
0x58: {  	[tilespmem:s29], [sflag:$0x2] =	stream.indirect.gather [hbm4b:s2+s25], $0x80, s28, s25, $0xb8;
	[tilespmem:$0x1F500] =	vst v63  }
0x59: {  	_ =	swait.ge [sflag:s30], $0x1000  }
0x5a: {  	[sflag:s30] =	ssyncset.done $0x0  }
0x5b: {  	s24 =	simm.s32 $0x186E0;
	[sflag:s30] =	ssyncadd.s32 $0xFFFFF000  }
0x5c: {  	[spmem:s3] =	stream.indirect.scatter.add.f32 [tilespmem:s26], [sflag:$0x3], $0x80, s24, s25, $0xb8;
	[tilespmem:$0x1F500] =	vst v63  }
0x5d: {  	_ =	swait.ge [sflag:s23], $0x1000  }
0x5e: {  	[sflag:s23] =	ssyncset.done $0x0  }
0x5f: {  	s16 =	simm.s32 $0x13900;
	[sflag:s23] =	ssyncadd.s32 $0xFFFFF000  }
0x60: {  	[tilespmem:s26], [sflag:$0x1] =	stream.indirect.gather [hbm4b:s2+s25], $0x80, s16, s25, $0xb8;
	[tilespmem:$0x1F500] =	vst v63  }
0x61: {  	_ =	swait.ge [sflag:s31], $0x1000  }
0x62: {  	[sflag:s31] =	ssyncset.done $0x0  }
0x63: {  	s24 =	simm.s32 $0x18700;
	[sflag:s31] =	ssyncadd.s32 $0xFFFFF000  }
0x64: {  	[spmem:s3] =	stream.indirect.scatter.add.f32 [tilespmem:s29], [sflag:$0x3], $0x80, s24, s25, $0xb8;
	[tilespmem:$0x1F500] =	vst v63  }
0x65: {  	_ =	swait.ge [sflag:s23], $0x1000  }
0x66: {  	[sflag:s23] =	ssyncset.done $0x0  }
0x67: {  	s15 =	simm.s32 $0x100;
	s16 =	simm.s32 $0x13920;
	[sflag:s23] =	ssyncadd.s32 $0xFFFFF000  }
.LBB2_6:
0x68: {  	[tilespmem:s29], [sflag:$0x2] =	stream.indirect.gather [hbm4b:s2+s25], $0x80, s16, s25, $0xb8;
	[tilespmem:$0x1F500] =	vst v63  }
0x69: {  	s16 =	smov.u32 s15  }
0x6a: {  	p2 =	sne.s32 s15, $0x13600;
	s15 =	sadd.s32 $0x100, s15;
	_ =	swait.ge [sflag:s30], $0x1000  }
0x6b: {  	s16 =	sshra.s32 s16, $0x2;
	[sflag:s30] =	ssyncset.done $0x0  }
0x6c: {  	s24 =	sadd.s32 $0x186E0, s16;
	[sflag:s30] =	ssyncadd.s32 $0xFFFFF000  }
0x6d: {  	[spmem:s3] =	stream.indirect.scatter.add.f32 [tilespmem:s26], [sflag:$0x3], $0x80, s24, s25, $0xb8;
	[tilespmem:$0x1F500] =	vst v63  }
0x6e: {  	_ =	swait.ge [sflag:s23], $0x1000  }
0x6f: {  	[sflag:s23] =	ssyncset.done $0x0  }
0x70: {  	s24 =	sadd.s32 $0x13900, s16;
	[sflag:s23] =	ssyncadd.s32 $0xFFFFF000  }
0x71: {  	[tilespmem:s26], [sflag:$0x1] =	stream.indirect.gather [hbm4b:s2+s25], $0x80, s24, s25, $0xb8;
	[tilespmem:$0x1F500] =	vst v63  }
0x72: {  	_ =	swait.ge [sflag:s31], $0x1000  }
0x73: {  	[sflag:s31] =	ssyncset.done $0x0  }
.Ltmp3:
0x74: {  	s24 =	sadd.s32 $0x18700, s16;
	[sflag:s31] =	ssyncadd.s32 $0xFFFFF000;
	(pc) =	sbr.rel @p2 .LBB2_6-.Ltmp3, $4  }
0x75: {  	[spmem:s3] =	stream.indirect.scatter.add.f32 [tilespmem:s29], [sflag:$0x3], $0x80, s24, s25, $0xb8;
	[tilespmem:$0x1F500] =	vst v63  }
0x76: {  	_ =	swait.ge [sflag:s23], $0x1000  }
0x77: {  	[sflag:s23] =	ssyncset.done $0x0  }
0x78: {  	s16 =	sadd.s32 $0x13920, s16;
	[sflag:s23] =	ssyncadd.s32 $0xFFFFF000  }
.Ltmp4:
0x79: {  	_ = 	snop;
	(pc) =	sbr.rel .LBB2_7-.Ltmp4, $1  }
0x7a: {  	_ =	sdelay $0x3  }
.LBB2_2:
0x7b: {  	s16 =	simm.s32 @p1 $0x1FC3;
	s24 =	rddreg [dreg:$0x6]  }
0x7c: {  	[spmem:s14], [sflag:s16] =	dma.local @p1 [hbm:s24], $0x2080  }
0x7d: {  	s16 =	simm.s32 @p1 $0x3  }
0x7e: {  	_ =	swait.ge @p1 [sflag:s16], $0x2080  }
0x7f: {  	[sflag:s16] =	ssyncset.done @p1 $0x0  }
0x80: {  	[sflag:s16] =	ssyncadd.s32 @p1 $0xFFFFDF80;
	s16 =	rddreg [dreg:$0x5]  }
0x81: {  	[spmem:s15], [sflag:s12] =	dma.local @!p1 [hbm:s16], $0x2780  }
0x82: {  	s15 =	simm.s32 @!p1 $0x3  }
0x83: {  	_ =	swait.ge @!p1 [sflag:s15], $0x2780  }
0x84: {  	[sflag:s15] =	ssyncset.done @!p1 $0x0  }
0x85: {  	s24 =	rddreg [dreg:$0x7];
	[sflag:s15] =	ssyncadd.s32 @!p1 $0xFFFFD880;
	s15 =	simm.s32 $0x0  }
0x86: {  	[tilespmem:s22], [sflag:$0x3] =	stream.linear.gather [hbm4b:s24+s15], $0x4E20, $0x38;
	[tilespmem:$0x1F500] =	vst v63  }
0x87: {  	_ =	swait.ge [sflag:s23], $0x4E20  }
0x88: {  	[sflag:s23] =	ssyncset.done $0x0  }
0x89: {  	s24 =	simm.s32 $0x186E0;
	s16 =	rddreg [dreg:$0x8];
	[sflag:s23] =	ssyncadd.s32 $0xFFFFB1E0  }
0x8a: {  	[tilespmem:s24], [sflag:$0x3] =	stream.linear.gather [hbm4b:s16+s15], $0x4E20, $0x38;
	[tilespmem:$0x1F500] =	vst v63  }
0x8b: {  	_ =	swait.ge [sflag:s23], $0x4E20  }
0x8c: {  	[sflag:s23] =	ssyncset.done $0x0  }
0x8d: {  	[sflag:s23] =	ssyncadd.s32 $0xFFFFB1E0  }
0x8e: {  	[bflag:$0x0] =	sbarrier.arrive $0xFFFF  }
0x8f: {  	[tilespmem:s26], [sflag:$0x1] =	stream.indirect.gather [hbm4b:s1+s25], $0x80, s22, s25, $0xb8;
	[tilespmem:$0x1F500] =	vst v63  }
0x90: {  	_ = 	snop  }
0x91: {  	[tilespmem:s29], [sflag:$0x2] =	stream.indirect.gather [hbm4b:s1+s25], $0x80, s28, s25, $0xb8;
	[tilespmem:$0x1F500] =	vst v63  }
0x92: {  	_ =	swait.ge [sflag:s30], $0x1000  }
0x93: {  	[sflag:s30] =	ssyncset.done $0x0  }
0x94: {  	s24 =	simm.s32 $0x186E0;
	[sflag:s30] =	ssyncadd.s32 $0xFFFFF000  }
0x95: {  	[spmem:s3] =	stream.indirect.scatter.add.f32 [tilespmem:s26], [sflag:$0x3], $0x80, s24, s25, $0xb8;
	[tilespmem:$0x1F500] =	vst v63  }
0x96: {  	_ =	swait.ge [sflag:s23], $0x1000  }
0x97: {  	[sflag:s23] =	ssyncset.done $0x0  }
0x98: {  	s16 =	simm.s32 $0x13900;
	[sflag:s23] =	ssyncadd.s32 $0xFFFFF000  }
0x99: {  	[tilespmem:s26], [sflag:$0x1] =	stream.indirect.gather [hbm4b:s1+s25], $0x80, s16, s25, $0xb8;
	[tilespmem:$0x1F500] =	vst v63  }
0x9a: {  	_ =	swait.ge [sflag:s31], $0x1000  }
0x9b: {  	[sflag:s31] =	ssyncset.done $0x0  }
0x9c: {  	s24 =	simm.s32 $0x18700;
	[sflag:s31] =	ssyncadd.s32 $0xFFFFF000  }
0x9d: {  	[spmem:s3] =	stream.indirect.scatter.add.f32 [tilespmem:s29], [sflag:$0x3], $0x80, s24, s25, $0xb8;
	[tilespmem:$0x1F500] =	vst v63  }
0x9e: {  	_ =	swait.ge [sflag:s23], $0x1000  }
0x9f: {  	[sflag:s23] =	ssyncset.done $0x0  }
0xa0: {  	s15 =	simm.s32 $0x100;
	s16 =	simm.s32 $0x13920;
	[sflag:s23] =	ssyncadd.s32 $0xFFFFF000  }
.LBB2_3:
0xa1: {  	[tilespmem:s29], [sflag:$0x2] =	stream.indirect.gather [hbm4b:s1+s25], $0x80, s16, s25, $0xb8;
	[tilespmem:$0x1F500] =	vst v63  }
0xa2: {  	s16 =	smov.u32 s15  }
0xa3: {  	p2 =	sne.s32 s15, $0x13600;
	s15 =	sadd.s32 $0x100, s15;
	_ =	swait.ge [sflag:s30], $0x1000  }
0xa4: {  	s16 =	sshra.s32 s16, $0x2;
	[sflag:s30] =	ssyncset.done $0x0  }
0xa5: {  	s24 =	sadd.s32 $0x186E0, s16;
	[sflag:s30] =	ssyncadd.s32 $0xFFFFF000  }
0xa6: {  	[spmem:s3] =	stream.indirect.scatter.add.f32 [tilespmem:s26], [sflag:$0x3], $0x80, s24, s25, $0xb8;
	[tilespmem:$0x1F500] =	vst v63  }
0xa7: {  	_ =	swait.ge [sflag:s23], $0x1000  }
0xa8: {  	[sflag:s23] =	ssyncset.done $0x0  }
0xa9: {  	s24 =	sadd.s32 $0x13900, s16;
	[sflag:s23] =	ssyncadd.s32 $0xFFFFF000  }
0xaa: {  	[tilespmem:s26], [sflag:$0x1] =	stream.indirect.gather [hbm4b:s1+s25], $0x80, s24, s25, $0xb8;
	[tilespmem:$0x1F500] =	vst v63  }
0xab: {  	_ =	swait.ge [sflag:s31], $0x1000  }
0xac: {  	[sflag:s31] =	ssyncset.done $0x0  }
.Ltmp5:
0xad: {  	s24 =	sadd.s32 $0x18700, s16;
	[sflag:s31] =	ssyncadd.s32 $0xFFFFF000;
	(pc) =	sbr.rel @p2 .LBB2_3-.Ltmp5, $4  }
0xae: {  	[spmem:s3] =	stream.indirect.scatter.add.f32 [tilespmem:s29], [sflag:$0x3], $0x80, s24, s25, $0xb8;
	[tilespmem:$0x1F500] =	vst v63  }
0xaf: {  	_ =	swait.ge [sflag:s23], $0x1000  }
0xb0: {  	[sflag:s23] =	ssyncset.done $0x0  }
0xb1: {  	s16 =	sadd.s32 $0x13920, s16;
	[sflag:s23] =	ssyncadd.s32 $0xFFFFF000  }
0xb2: {  	[tilespmem:s29], [sflag:$0x2] =	stream.indirect.gather [hbm4b:s1+s25], $0x80, s16, s25, $0xb8;
	[tilespmem:$0x1F500] =	vst v63  }
0xb3: {  	_ =	swait.ge [sflag:s30], $0x1000  }
0xb4: {  	[sflag:s30] =	ssyncset.done $0x0  }
0xb5: {  	[sflag:s30] =	ssyncadd.s32 $0xFFFFF000  }
0xb6: {  	[spmem:s3] =	stream.indirect.scatter.add.f32 [tilespmem:s26], [sflag:$0x3], $0x80, s0, s25, $0xb8;
	[tilespmem:$0x1F500] =	vst v63  }
0xb7: {  	_ =	swait.ge [sflag:s23], $0x1000  }
0xb8: {  	[sflag:s23] =	ssyncset.done $0x0  }
0xb9: {  	[sflag:s23] =	ssyncadd.s32 $0xFFFFF000  }
0xba: {  	[tilespmem:s26], [sflag:$0x1] =	stream.indirect.gather [hbm4b:s1+s25], $0x80, s7, s25, $0xb8;
	[tilespmem:$0x1F500] =	vst v63  }
0xbb: {  	_ =	swait.ge [sflag:s31], $0x1000  }
0xbc: {  	[sflag:s31] =	ssyncset.done $0x0  }
0xbd: {  	[sflag:s31] =	ssyncadd.s32 $0xFFFFF000  }
0xbe: {  	[spmem:s3] =	stream.indirect.scatter.add.f32 [tilespmem:s29], [sflag:$0x3], $0x80, s9, s25, $0xb8;
	[tilespmem:$0x1F500] =	vst v63  }
0xbf: {  	_ =	swait.ge [sflag:s23], $0x1000  }
0xc0: {  	[sflag:s23] =	ssyncset.done $0x0  }
0xc1: {  	[sflag:s23] =	ssyncadd.s32 $0xFFFFF000  }
0xc2: {  	_ =	swait.ge [sflag:s30], $0x1000  }
0xc3: {  	[sflag:s30] =	ssyncset.done $0x0  }
0xc4: {  	[sflag:s30] =	ssyncadd.s32 $0xFFFFF000  }
0xc5: {  	[spmem:s3] =	stream.indirect.scatter.add.f32 [tilespmem:s26], [sflag:$0x3], $0x80, s10, s25, $0xb8;
	[tilespmem:$0x1F500] =	vst v63  }
0xc6: {  	_ =	swait.ge [sflag:s23], $0x1000  }
0xc7: {  	[sflag:s23] =	ssyncset.done $0x0  }
0xc8: {  	[sflag:s23] =	ssyncadd.s32 $0xFFFFF000  }
0xc9: {  	[bflag:$0x0] =	sbarrier.arrive $0xFFFF  }
0xca: {  	s15 =	simm.s32 @p1 $0x1FC3;
	s16 =	rddreg [dreg:$0xa]  }
0xcb: {  	[hbm:s16], [sflag:s15] =	dma.local @p1 [spmem:s14], $0x2080  }
0xcc: {  	s14 =	simm.s32 @p1 $0x3  }
0xcd: {  	_ =	swait.ge @p1 [sflag:s14], $0x2080  }
0xce: {  	[sflag:s14] =	ssyncset.done @p1 $0x0  }
0xcf: {  	[sflag:s14] =	ssyncadd.s32 @p1 $0xFFFFDF80;
	s14 =	rddreg [dreg:$0x9]  }
0xd0: {  	[hbm:s14], [sflag:s12] =	dma.local @!p1 [spmem:s11], $0x2780  }
.Ltmp6:
0xd1: {  	_ = 	snop;
	(pc) =	sbr.rel .LBB2_8-.Ltmp6, $4  }
0xd2: {  	s11 =	simm.s32 @!p1 $0x3  }
0xd3: {  	_ =	swait.ge @!p1 [sflag:s11], $0x2780  }
0xd4: {  	[sflag:s11] =	ssyncset.done @!p1 $0x0  }
0xd5: {  	[sflag:s11] =	ssyncadd.s32 @!p1 $0xFFFFD880  }
.LBB2_9:
0xd6: {  	_ =	sfence.sel $0x180000  }
0xd7: {  	[bflag:$0x0] =	sbarrier.arrive $0xFFFF  }
0xd8: {  	_ =	strace $0x90000047  }
0xd9: {  	[bflag:$0x2] =	sbarrier.arrive $0xFFFF  }
0xda: {  	p0 =	sne.s32 s4, $0x0;
	s0 =	rddreg [dreg:$0x4]  }
0xdb: {  	s0 =	sadd.s32 @!p0 $0x100000, s0  }
0xdc: {  	[sflag:s0] =	ssyncadd.tile.s32 @!p0 $0x1;
	_ =	shalt  }
.Lfunc_end2:
_tile_overlayer_lowered:
.L_overlay_start_2:
0xdd: {  	(tag) =	ssettag $0x2  }
0xde: {  	s0 =	rddreg [dreg:$0x0];
	s2 =	stileid.u32  }
0xdf: {  	s1 =	rddreg [dreg:$0x1];
	p0 =	sne.s32 s2, $0x0  }
0xe0: {  	s3 =	rddreg [dreg:$0x2];
	[bflag:$0x3] =	sbarrier.arrive $0xFFFF;
	s2 =	simm.s32 @!p0 $0x1C03  }
0xe1: {  	[timem:s3], [sflag:s2] =	dma.local @!p0 [hbm:s0], s1  }
0xe2: {  	s0 =	simm.s32 @!p0 $0x3  }
0xe3: {  	_ =	swait.ge @!p0 [sflag:s0], s1  }
0xe4: {  	s1 =	ssub.s32 @!p0 $0x0, s1;
	[sflag:s0] =	ssyncset.done @!p0 $0x0  }
0xe5: {  	[sflag:s0] =	ssyncadd.s32 @!p0 s1  }
0xe6: {  	[bflag:$0x3] =	sbarrier.arrive $0xFFFF  }
0xe7: {  	_ =	shalt  }

// kernel: kernel.9.cloned.1.call-start
scs
__scs_entry_jumppad:
0x0: {  	(pc) =	sbr.rel $0x88, $3  }
0x1: {  	(tag) =	ssettag $0x0;
	lr =	simm.s32 $0x1  }
0x2: {  	[smem:$0x3F88] =	sst lr;
	_ =	strace $0xD0000000  }
0x3: {  	_ = 	snop  }
0x4: {  	_ = 	snop  }
0x5: {  	_ = 	snop  }
0x6: {  	_ = 	snop  }
0x7: {  	_ = 	snop  }
__scs_overlays_trampoline_lowered:
0x8: {  	[smem:$0x3F97] =	sst s0  }
0x9: {  	[smem:$0x3F98] =	sst s1  }
0xa: {  	[smem:$0x3F99] =	sst s2  }
0xb: {  	[smem:$0x3F9A] =	sst s3  }
0xc: {  	[smem:$0x3F9B] =	sst s4  }
0xd: {  	[smem:$0x3F9C] =	sst s5  }
0xe: {  	[smem:$0x3F9D] =	sst s6  }
0xf: {  	[smem:$0x3F9E] =	sst s7  }
0x10: {  	[smem:$0x3F9F] =	sst s8  }
0x11: {  	[smem:$0x3FA0] =	sst s9;
	s0 =	simm.s32 @!p0 $0x0  }
0x12: {  	s1 =	sld [smem:$0x3F86];
	s0 =	simm.s32 @p0 $0x1  }
0x13: {  	[smem:$0x3FA1] =	sst s0;
	s0 =	simm.s32 @!p1 $0x0  }
0x14: {  	s2 =	sld [smem:$0x3F85];
	s0 =	simm.s32 @p1 $0x1  }
0x15: {  	[smem:$0x3FA2] =	sst s0;
	s0 =	simm.s32 @!p2 $0x0  }
0x16: {  	s3 =	sld [smem:$0x3FDB];
	s0 =	simm.s32 @p2 $0x1  }
0x17: {  	s4 =	simm.s32 $0x1BF5;
	[smem:$0x3FA4] =	sst s0  }
0x18: {  	s0 =	sld [smem:$0x3F87];
	_ =	swait.ge [sflag:s4], $0x0  }
0x19: {  	s7 =	sld [smem:$0x3F88]  }
0x1a: {  	s8 =	sadd.s32 $0xFFFFE003, lr  }
0x1b: {  	s9 =	sadd.s32 $0xFFFFFEF7, lr;
	s5 =	simm.s32 $0xFFFFFFFF;
	p2 =	slt.u32 s8, $0xFFFFF086  }
0x1c: {  	p1 =	slt.u32 s9, $0xF7A;
	s5 =	simm.s32 @!p2 $0x0  }
0x1d: {  	s5 =	simm.s32 @p1 $0x1;
	p0 =	seq.s32 s7, s2  }
0x1e: {  	s7 =	smul.u32 @!p0 $0xF7A, s2;
	p2 =	seq.s32 @!p0 s5, $0x0  }
0x1f: {  	s9 =	smul.u32 $0xF7A, s1;
	s8 =	simm.s32 @!p0 $0x1BF5;
	p2 =	por !p2, p0  }
0x20: {  	[sflag:s8] =	ssyncset.s32 @!p0 $0xFFFFF086;
	s6 =	sadd.s32 @!p0 s3, s7;
	s7 =	simm.s32 @!p0 $0x108  }
0x21: {  	s3 =	sadd.s32 s3, s9;
	s6 =	sadd.s32 @!p0 $0x88, s6;
	s7 =	simm.s32 @p2 $0x1082  }
0x22: {  	[simem:s7], [sflag:s8] =	dma.local @!p0 [hbm:s6], $0xF7A  }
0x23: {  	s9 =	sor.u32 $0xD0000000, s2;
	s6 =	simm.s32 $0x108;
	_ =	swait.ge @!p0 [sflag:s8], $0x0  }
0x24: {  	s3 =	sadd.s32 $0x88, s3;
	s6 =	simm.s32 @!p1 $0x1082;
	[sflag:s4] =	ssyncset.s32 $0xFFFFF086  }
0x25: {  	[simem:s6], [sflag:s4] =	dma.local [hbm:s3], $0xF7A  }
0x26: {  	[smem:$0x3F88] =	sst s1;
	(tag) =	ssettag s2;
	_ =	strace s9  }
0x27: {  	s1 =	sld [smem:$0x3F98]  }
0x28: {  	s2 =	sld [smem:$0x3F99]  }
0x29: {  	s4 =	sld [smem:$0x3F9B]  }
0x2a: {  	p0 =	seq.s32 s5, $0x0;
	s5 =	sld [smem:$0x3F9C]  }
0x2b: {  	s6 =	sld [smem:$0x3F9D]  }
0x2c: {  	s7 =	sld [smem:$0x3F9E]  }
0x2d: {  	s3 =	simm.s32 $0x108;
	s8 =	sld [smem:$0x3F9F]  }
0x2e: {  	s3 =	simm.s32 @!p0 $0x1082;
	s9 =	sld [smem:$0x3FA0]  }
0x2f: {  	lr =	sadd.s32 s0, s3;
	s0 =	sld [smem:$0x3F97]  }
0x30: {  	s3 =	sld [smem:$0x3F9A]  }
0x31: {  	[smem:$0x3FA3] =	sst s10  }
0x32: {  	s10 =	sld [smem:$0x3FA1];
	_ =	sdelay $0x3  }
0x33: {  	p0 =	seq.s32 s10, $0x1;
	s10 =	sld [smem:$0x3FA3];
	_ =	sdelay $0x3  }
0x34: {  	[smem:$0x3FA3] =	sst s10  }
0x35: {  	s10 =	sld [smem:$0x3FA2];
	_ =	sdelay $0x3  }
0x36: {  	p1 =	seq.s32 s10, $0x1;
	s10 =	sld [smem:$0x3FA3];
	_ =	sdelay $0x3  }
0x37: {  	[smem:$0x3FA3] =	sst s10  }
0x38: {  	s10 =	sld [smem:$0x3FA4]  }
0x39: {  	_ = 	snop;
	(pc) =	sbr.ind lr, $3  }
0x3a: {  	_ = 	snop  }
0x3b: {  	_ = 	snop  }
0x3c: {  	p2 =	seq.s32 s10, $0x1;
	s10 =	sld [smem:$0x3FA3]  }
0x3d: {  	_ =	shalt  }
0x3e: {  	_ =	shalt  }
0x3f: {  	_ =	shalt  }
0x40: {  	_ =	shalt  }
0x41: {  	_ =	shalt  }
0x42: {  	_ =	shalt  }
0x43: {  	_ =	shalt  }
0x44: {  	_ =	shalt  }
0x45: {  	_ =	shalt  }
0x46: {  	_ =	shalt  }
0x47: {  	_ =	shalt  }
0x48: {  	_ =	shalt  }
0x49: {  	_ =	shalt  }
0x4a: {  	_ =	shalt  }
0x4b: {  	_ =	shalt  }
0x4c: {  	_ =	shalt  }
0x4d: {  	_ =	shalt  }
0x4e: {  	_ =	shalt  }
0x4f: {  	_ =	shalt  }
0x50: {  	_ =	shalt  }
0x51: {  	_ =	shalt  }
0x52: {  	_ =	shalt  }
0x53: {  	_ =	shalt  }
0x54: {  	_ =	shalt  }
0x55: {  	_ =	shalt  }
0x56: {  	_ =	shalt  }
0x57: {  	_ =	shalt  }
0x58: {  	_ =	shalt  }
0x59: {  	_ =	shalt  }
0x5a: {  	_ =	shalt  }
0x5b: {  	_ =	shalt  }
0x5c: {  	_ =	shalt  }
0x5d: {  	_ =	shalt  }
0x5e: {  	_ =	shalt  }
0x5f: {  	_ =	shalt  }
0x60: {  	_ =	shalt  }
0x61: {  	_ =	shalt  }
0x62: {  	_ =	shalt  }
0x63: {  	_ =	shalt  }
0x64: {  	_ =	shalt  }
0x65: {  	_ =	shalt  }
0x66: {  	_ =	shalt  }
0x67: {  	_ =	shalt  }
0x68: {  	_ =	shalt  }
0x69: {  	_ =	shalt  }
0x6a: {  	_ =	shalt  }
0x6b: {  	_ =	shalt  }
0x6c: {  	_ =	shalt  }
0x6d: {  	_ =	shalt  }
0x6e: {  	_ =	shalt  }
0x6f: {  	_ =	shalt  }
0x70: {  	_ =	shalt  }
0x71: {  	_ =	shalt  }
0x72: {  	_ =	shalt  }
0x73: {  	_ =	shalt  }
0x74: {  	_ =	shalt  }
0x75: {  	_ =	shalt  }
0x76: {  	_ =	shalt  }
0x77: {  	_ =	shalt  }
0x78: {  	_ =	shalt  }
0x79: {  	_ =	shalt  }
0x7a: {  	_ =	shalt  }
0x7b: {  	_ =	shalt  }
0x7c: {  	_ =	shalt  }
0x7d: {  	_ =	shalt  }
0x7e: {  	_ =	shalt  }
0x7f: {  	_ =	shalt  }
0x80: {  	_ =	shalt  }
0x81: {  	_ =	shalt  }
0x82: {  	_ =	shalt  }
0x83: {  	_ =	shalt  }
0x84: {  	_ =	shalt  }
0x85: {  	_ =	shalt  }
0x86: {  	_ =	shalt  }
0x87: {  	_ =	shalt  }
.Lfunc_end0:
.L_simem_size_0:
called_computation.1_lowered:
.L_overlay_start_0:
0x88: {  	s2 =	sld [smem:$0x3FD9]  }
0x89: {  	s3 =	sld [smem:$0x3FFE];
	_ =	sdelay $0x1  }
0x8a: {  	s1 =	srdreg.scid  }
0x8b: {  	s0 =	sand.u32 $0x1, s1  }
0x8c: {  	s16 =	sshll.u32 s0, $0xA;
	s2 =	sadd.s32 s3, s2  }
0x8d: {  	s2 =	sadd.s32 s2, s16  }
0x8e: {  	[smem:$0x3FAF] =	sst s2  }
0x8f: {  	_ = 	snop  }
0x90: {  	(tm) =	ssettm $0x1  }
0x91: {  	s17 =	sld [smem:$0x3FFB];
	_ =	sdelay $0x3  }
0x92: {  	_ =	strace s17  }
0x93: {  	s2 =	sld [smem:$0x3FFC];
	_ =	sdelay $0x3  }
0x94: {  	_ =	strace s2  }
0x95: {  	s2 =	sld [smem:$0x3FFD];
	_ =	sdelay $0x3  }
0x96: {  	_ =	strace s2  }
0x97: {  	_ =	strace $0x8FFFFFFF  }
0x98: {  	s18 =	sld [smem:$0x3FDB];
	_ =	sdelay $0x1  }
0x99: {  	s19 =	simm.s32 $_scs_section_size  }
0x9a: {  	s4 =	simm.s32 $_size__tile_overlayer_lowered;
	s5 =	simm.s32 $_tile_overlayer_lowered  }
0x9b: {  	s22 =	simm.s32 $0x1BFF;
	s21 =	sshll.u32 s5, $0x1;
	s2 =	sadd.s32 s19, s18  }
0x9c: {  	s6 =	simm.s32 $0x0;
	s20 =	sshll.u32 s4, $0x1;
	s4 =	sadd.s32 s21, s2  }
0x9d: {  	[timem:s6], [sflag:s22] =	dma.local [hbm:s4], s20  }
0x9e: {  	_ =	swait.ge [sflag:s22], s20  }
0x9f: {  	s3 =	ssub.s32 $0x0, s20;
	[sflag:s22] =	ssyncset.done $0x0  }
0xa0: {  	[sflag:s22] =	ssyncadd.s32 s3;
	_ =	sdelay $0x1  }
0xa1: {  	s23 =	simm.s32 $0x1B8B  }
0xa2: {  	_ =	swait.ge [sflag:s23], $0x1  }
0xa3: {  	[sflag:s23] =	ssyncset.done $0x0  }
0xa4: {  	s25 =	simm.s32 $0x1B8E;
	s24 =	sld [smem:$0x3FFE];
	[sflag:s23] =	ssyncadd.s32 $0xFFFFFFFF  }
0xa5: {  	s26 =	simm.s32 $execute0_lowered;
	[smem:$0x3FD2] =	sst s25  }
0xa6: {  	s4 =	sshll.u32 s26, $0x1;
	_ =	strace $0x80000049;
	[dreg:$0x1] =	wrdreg $0xFFFFFFFF  }
0xa7: {  	s28 =	simm.s32 $_size_execute0_lowered;
	s2 =	sadd.s32 s2, s4;
	[dreg:$0x0] =	wrdreg $0x0  }
0xa8: {  	s4 =	sshll.u32 s28, $0x1;
	[dreg:$0x2] =	wrdreg s2  }
0xa9: {  	[dreg:$0x3] =	wrdreg s4  }
0xaa: {  	[dreg:$0x4] =	wrdreg $0xC0  }
0xab: {  	_ =	task [dreg:s6], $0x5FFFF  }
0xac: {  	[dreg:$0x1] =	wrdreg $0xFFFFFFFF  }
0xad: {  	[dreg:$0x0] =	wrdreg $0x60  }
0xae: {  	[dreg:$0x2] =	wrdreg s24  }
0xaf: {  	[dreg:$0x3] =	wrdreg $0x0  }
0xb0: {  	[dreg:$0x4] =	wrdreg $0x9  }
0xb1: {  	_ =	task.clear_ibuf [dreg:s6], $0x5FFFF;
	_ =	strace $0x90000049  }
0xb2: {  	s29 =	simm.s32 $0x9;
	_ =	strace $0x8000004B  }
0xb3: {  	_ =	swait.ge [sflag:s29], $0x1  }
0xb4: {  	[sflag:s29] =	ssyncadd.s32 $0xFFFFFFFF  }
0xb5: {  	_ =	strace $0x9000004B  }
0xb6: {  	_ =	sfence  }
0xb7: {  	s30 =	sld [smem:$0x0];
	_ =	sdelay $0x2  }
0xb8: {  	s31 =	sshll.u32 s1, $0xD;
	s1 =	sshrl.u32 s1, $0x2  }
0xb9: {  	s3 =	sand.u32 $0x4000, s31;
	s1 =	sadd.s32 s1, s30  }
0xba: {  	s0 =	sor.u32 s3, s0;
	s1 =	sshll.u32 s1, $0x11  }
0xbb: {  	s0 =	sor.u32 s1, s0  }
0xbc: {  	s0 =	sadd.s32 $0x8F2B, s0  }
0xbd: {  	[sflag:s0] =	ssyncadd.remote.s32 $0x1  }
0xbe: {  	_ =	sfence.sel $0xFFFF  }
0xbf: {  	[dreg:$0x0] =	wrdreg $0xFFFFFFFF;
	(pc) =	sbr.abs _section_cstart, $3  }
0xc0: {  	[dreg:$0x1] =	wrdreg $0xFFFFFFFF  }
0xc1: {  	_ =	task.clear_ibuf [dreg:s6], $0x2FFFF;
	_ =	strace $0x9FFFFFFF  }
0xc2: {  	(tm) =	ssettm $0x7FFFFFFF  }
0xc3: {  	_ =	shalt  }
tec
execute0_lowered:
.L_overlay_start_1:
0x0: {  	(tag) =	ssettag $0x1  }
0x1: {  	s5 =	rddreg [dreg:$0x0]  }
0x2: {  	s1 =	rddreg [dreg:$0x1];
	s2 =	srdreg.scid  }
0x3: {  	s0 =	rddreg [dreg:$0x2];
	s3 =	simm.s32 $0x0;
	s14 =	simm.s32 $0x3  }
0x4: {  	s15 =	simm.s32 $0xEB60;
	s16 =	simm.s32 $0x80;
	s17 =	simm.s32 $0x13A60  }
0x5: {  	s18 =	simm.s32 $0x9CE0;
	s19 =	simm.s32 $0x15A60;
	s20 =	simm.s32 $0x1  }
0x6: {  	s21 =	simm.s32 $0x2;
	s22 =	simm.s32 $0x13960;
	s23 =	simm.s32 $0x139E0  }
0x7: {  	s24 =	simm.s32 $0x0;
	s6 =	sand.u32 $0x1, s2;
	s2 =	stileid.u32  }
0x8: {  	[smem:$0x7FF] =	sst s3;
	s13 =	sadd.s32 $0x94200, s1;
	s7 =	smul.u32 $0x2710, s6  }
0x9: {  	s4 =	sshll.u32 s6, $0x4;
	s9 =	smul.u32 $0x278, s2;
	_ =	strace $0x8000004A  }
0xa: {  	s6 =	ssub.s32 $0x2, s6;
	s30 =	smul.u32 $0x27800, s2;
	p0 =	seq.s32 s2, $0xF  }
0xb: {  	s8 =	sor.u32 s2, s4;
	s4 =	sadd.s32 $0x2A00, s5;
	s10 =	sshrl.u32 s6, $0x1  }
0xc: {  	s8 =	smul.u32 $0x9E0, s8;
	s7 =	sadd.s32 s9, s7;
	s31 =	sshrl.u32 s30, $0x2  }
0xd: {  	s10 =	ssub.s32 s6, s10;
	s7 =	sshll.u32 s7, $0x3;
	s12 =	sadd.s32 s31, s1  }
0xe: {  	s9 =	smax.u32 s10, $0x1;
	s10 =	sshrl.u32 @p0 s13, $0x3;
	s8 =	sadd.s32 s8, s5  }
0xf: {  	s11 =	sadd.s32 s7, s5;
	s5 =	sadd.s32 s4, s7;
	s6 =	sadd.s32 $0x78000, s8  }
0x10: {  	s7 =	sadd.s32 $0x8BC00, s8;
	s8 =	sadd.s32 $0x29C00, s11;
	s11 =	sshll.u32 @!p0 s2, $0x6  }
0x11: {  	s13 =	simm.s32 $0x9C60;
	s12 =	sshrl.u32 @!p0 s12, $0x3;
	s11 =	sor.u32 @!p0 $0x1C03, s11  }
.LBB2_1:
0x12: {  	s25 =	simm.s32 @p0 $0x1FC3  }
0x13: {  	[spmem:s10], [sflag:s25] =	dma.local @p0 [hbm:s5], $0x1040  }
0x14: {  	s25 =	simm.s32 @p0 $0x3  }
0x15: {  	_ =	swait.ge @p0 [sflag:s25], $0x1040  }
0x16: {  	[sflag:s25] =	ssyncset.done @p0 $0x0  }
0x17: {  	[sflag:s25] =	ssyncadd.s32 @p0 $0xFFFFEFC0;
	s25 =	simm.s32 @!p0 $0x3  }
0x18: {  	[spmem:s12], [sflag:s11] =	dma.local @!p0 [hbm:s5], $0x13C0  }
0x19: {  	_ =	swait.ge @!p0 [sflag:s25], $0x13C0  }
0x1a: {  	[sflag:s25] =	ssyncset.done @!p0 $0x0  }
0x1b: {  	[sflag:s25] =	ssyncadd.s32 @!p0 $0xFFFFEC40  }
0x1c: {  	[tilespmem:s13], [sflag:$0x3] =	stream.linear.gather [hbm4b:s6+s3], $0x4F00, $0x38;
	[tilespmem:$0x17A60] =	vst v63  }
0x1d: {  	_ =	swait.ge [sflag:s14], $0x4F00  }
0x1e: {  	[sflag:s14] =	ssyncset.done $0x0  }
0x1f: {  	[sflag:s14] =	ssyncadd.s32 $0xFFFFB100  }
0x20: {  	[tilespmem:s15], [sflag:$0x3] =	stream.linear.gather [hbm4b:s7+s3], $0x4F00, $0x38;
	[tilespmem:$0x17A60] =	vst v63  }
0x21: {  	_ =	swait.ge [sflag:s14], $0x4F00  }
0x22: {  	[sflag:s14] =	ssyncset.done $0x0  }
0x23: {  	[sflag:s14] =	ssyncadd.s32 $0xFFFFB100  }
0x24: {  	[bflag:$0x0] =	sbarrier.arrive $0xFFFF  }
0x25: {  	[tilespmem:s17], [sflag:$0x1] =	stream.indirect.gather [hbm4b:s4+s16], $0x40, s13, s16, $0xb8;
	[tilespmem:$0x17A60] =	vst v63  }
0x26: {  	_ = 	snop  }
0x27: {  	[tilespmem:s19], [sflag:$0x2] =	stream.indirect.gather [hbm4b:s4+s16], $0x40, s18, s16, $0xb8;
	[tilespmem:$0x17A60] =	vst v63  }
0x28: {  	_ =	swait.ge [sflag:s20], $0x2000  }
0x29: {  	[sflag:s20] =	ssyncset.done $0x0  }
0x2a: {  	s29 =	simm.s32 $0xEB60;
	[sflag:s20] =	ssyncadd.s32 $0xFFFFE000  }
0x2b: {  	[spmem:s1] =	stream.indirect.scatter.add.f32 [tilespmem:s17], [sflag:$0x3], $0x40, s29, s16, $0xb8;
	[tilespmem:$0x17A60] =	vst v63  }
0x2c: {  	_ =	swait.ge [sflag:s14], $0x2000  }
0x2d: {  	[sflag:s14] =	ssyncset.done $0x0  }
0x2e: {  	s30 =	simm.s32 $0x9D60;
	[sflag:s14] =	ssyncadd.s32 $0xFFFFE000  }
0x2f: {  	[tilespmem:s17], [sflag:$0x1] =	stream.indirect.gather [hbm4b:s4+s16], $0x40, s30, s16, $0xb8;
	[tilespmem:$0x17A60] =	vst v63  }
0x30: {  	_ =	swait.ge [sflag:s21], $0x2000  }
0x31: {  	[sflag:s21] =	ssyncset.done $0x0  }
0x32: {  	s31 =	simm.s32 $0xEBE0;
	[sflag:s21] =	ssyncadd.s32 $0xFFFFE000  }
0x33: {  	[spmem:s1] =	stream.indirect.scatter.add.f32 [tilespmem:s19], [sflag:$0x3], $0x40, s31, s16, $0xb8;
	[tilespmem:$0x17A60] =	vst v63  }
0x34: {  	_ =	swait.ge [sflag:s14], $0x2000  }
0x35: {  	[sflag:s14] =	ssyncset.done $0x0  }
0x36: {  	s26 =	simm.s32 $0x9DE0;
	s25 =	simm.s32 $0x400;
	[sflag:s14] =	ssyncadd.s32 $0xFFFFE000  }
.LBB2_2:
0x37: {  	[tilespmem:s19], [sflag:$0x2] =	stream.indirect.gather [hbm4b:s4+s16], $0x40, s26, s16, $0xb8;
	[tilespmem:$0x17A60] =	vst v63  }
0x38: {  	s26 =	smov.u32 s25  }
0x39: {  	p1 =	sne.s32 s25, $0x13400;
	s25 =	sadd.s32 $0x400, s25;
	_ =	swait.ge [sflag:s20], $0x2000  }
0x3a: {  	s26 =	sshra.s32 s26, $0x2;
	[sflag:s20] =	ssyncset.done $0x0  }
0x3b: {  	s28 =	sadd.s32 $0xEB60, s26;
	[sflag:s20] =	ssyncadd.s32 $0xFFFFE000  }
0x3c: {  	[spmem:s1] =	stream.indirect.scatter.add.f32 [tilespmem:s17], [sflag:$0x3], $0x40, s28, s16, $0xb8;
	[tilespmem:$0x17A60] =	vst v63  }
0x3d: {  	_ =	swait.ge [sflag:s14], $0x2000  }
0x3e: {  	[sflag:s14] =	ssyncset.done $0x0  }
0x3f: {  	s28 =	sadd.s32 $0x9D60, s26;
	[sflag:s14] =	ssyncadd.s32 $0xFFFFE000  }
0x40: {  	[tilespmem:s17], [sflag:$0x1] =	stream.indirect.gather [hbm4b:s4+s16], $0x40, s28, s16, $0xb8;
	[tilespmem:$0x17A60] =	vst v63  }
0x41: {  	_ =	swait.ge [sflag:s21], $0x2000  }
0x42: {  	[sflag:s21] =	ssyncset.done $0x0  }
.Ltmp0:
0x43: {  	s28 =	sadd.s32 $0xEBE0, s26;
	[sflag:s21] =	ssyncadd.s32 $0xFFFFE000;
	(pc) =	sbr.rel @p1 .LBB2_2-.Ltmp0, $4  }
0x44: {  	[spmem:s1] =	stream.indirect.scatter.add.f32 [tilespmem:s19], [sflag:$0x3], $0x40, s28, s16, $0xb8;
	[tilespmem:$0x17A60] =	vst v63  }
0x45: {  	_ =	swait.ge [sflag:s14], $0x2000  }
0x46: {  	[sflag:s14] =	ssyncset.done $0x0  }
0x47: {  	s26 =	sadd.s32 $0x9DE0, s26;
	[sflag:s14] =	ssyncadd.s32 $0xFFFFE000  }
0x48: {  	[tilespmem:s19], [sflag:$0x2] =	stream.indirect.gather [hbm4b:s4+s16], $0x40, s26, s16, $0xb8;
	[tilespmem:$0x17A60] =	vst v63  }
0x49: {  	_ =	swait.ge [sflag:s20], $0x2000  }
0x4a: {  	[sflag:s20] =	ssyncset.done $0x0  }
0x4b: {  	[sflag:s20] =	ssyncadd.s32 $0xFFFFE000  }
0x4c: {  	[spmem:s1] =	stream.indirect.scatter.add.f32 [tilespmem:s17], [sflag:$0x3], $0x40, s22, s16, $0xb8;
	[tilespmem:$0x17A60] =	vst v63  }
0x4d: {  	_ =	swait.ge [sflag:s14], $0x2000  }
0x4e: {  	[sflag:s14] =	ssyncset.done $0x0  }
0x4f: {  	[sflag:s14] =	ssyncadd.s32 $0xFFFFE000  }
0x50: {  	_ =	swait.ge [sflag:s21], $0x2000  }
0x51: {  	[sflag:s21] =	ssyncset.done $0x0  }
0x52: {  	[sflag:s21] =	ssyncadd.s32 $0xFFFFE000  }
0x53: {  	[spmem:s1] =	stream.indirect.scatter.add.f32 [tilespmem:s19], [sflag:$0x3], $0x40, s23, s16, $0xb8;
	[tilespmem:$0x17A60] =	vst v63  }
0x54: {  	_ =	swait.ge [sflag:s14], $0x2000  }
0x55: {  	[sflag:s14] =	ssyncset.done $0x0  }
0x56: {  	[sflag:s14] =	ssyncadd.s32 $0xFFFFE000  }
0x57: {  	s25 =	simm.s32 @p0 $0x1FC3;
	[bflag:$0x0] =	sbarrier.arrive $0xFFFF  }
0x58: {  	[hbm:s8], [sflag:s25] =	dma.local @p0 [spmem:s10], $0x1040  }
0x59: {  	s25 =	simm.s32 @p0 $0x3  }
0x5a: {  	s24 =	sadd.s32 $0x1, s24;
	_ =	swait.ge @p0 [sflag:s25], $0x1040  }
0x5b: {  	p1 =	sne.s32 s24, s9;
	[sflag:s25] =	ssyncset.done @p0 $0x0  }
.Ltmp1:
0x5c: {  	[sflag:s25] =	ssyncadd.s32 @p0 $0xFFFFEFC0;
	s25 =	simm.s32 @!p0 $0x3;
	(pc) =	sbr.rel @p1 .LBB2_1-.Ltmp1, $4  }
0x5d: {  	[hbm:s8], [sflag:s11] =	dma.local @!p0 [spmem:s12], $0x13C0  }
0x5e: {  	_ =	swait.ge @!p0 [sflag:s25], $0x13C0  }
0x5f: {  	[sflag:s25] =	ssyncset.done @!p0 $0x0  }
0x60: {  	[sflag:s25] =	ssyncadd.s32 @!p0 $0xFFFFEC40  }
0x61: {  	_ =	sfence.sel $0x180000  }
0x62: {  	[bflag:$0x0] =	sbarrier.arrive $0xFFFF  }
0x63: {  	p0 =	sne.s32 s2, $0x0;
	_ =	strace $0x9000004A  }
0x64: {  	s0 =	sadd.s32 @!p0 $0x100000, s0;
	[bflag:$0x2] =	sbarrier.arrive $0xFFFF  }
0x65: {  	[sflag:s0] =	ssyncadd.tile.s32 @!p0 $0x1;
	_ =	shalt  }
.Lfunc_end2:
_tile_overlayer_lowered:
.L_overlay_start_2:
0x66: {  	(tag) =	ssettag $0x2  }
0x67: {  	s0 =	rddreg [dreg:$0x0];
	s2 =	stileid.u32  }
0x68: {  	s1 =	rddreg [dreg:$0x1];
	p0 =	sne.s32 s2, $0x0  }
0x69: {  	s3 =	rddreg [dreg:$0x2];
	[bflag:$0x3] =	sbarrier.arrive $0xFFFF;
	s2 =	simm.s32 @!p0 $0x1C03  }
0x6a: {  	[timem:s3], [sflag:s2] =	dma.local @!p0 [hbm:s0], s1  }
0x6b: {  	s0 =	simm.s32 @!p0 $0x3  }
0x6c: {  	_ =	swait.ge @!p0 [sflag:s0], s1  }
0x6d: {  	s1 =	ssub.s32 @!p0 $0x0, s1;
	[sflag:s0] =	ssyncset.done @!p0 $0x0  }
0x6e: {  	[sflag:s0] =	ssyncadd.s32 @!p0 s1  }
0x6f: {  	[bflag:$0x3] =	sbarrier.arrive $0xFFFF  }
0x70: {  	_ =	shalt  }

</sc_bundles>
